<compile_context>
chip_gen: v7x
topology: tpu7x:2x2x1
jax: 0.10.2.dev20260603
libtpu: 0.0.44.dev20260713+nightly
codegen_flags: <defaults>
</compile_context>

<pallas_src>
import functools

import jax
import jax.numpy as jnp
from jax import lax
from jax.experimental import pallas as pl
from jax.experimental.pallas import tpu as pltpu
from jax.experimental.pallas import tpu_sc as plsc

N = 16384
D = 64
KPAD = 128
NC = 2
NS = 16
NW = NC * NS
H = N // 2
PCHUNK = H // NW
NB = PCHUNK // 128
CW = 16
PB = 4096


def _pack_body(embt_a_ref, embt_b_ref, out_ref):
  row = lax.broadcasted_iota(jnp.int32, (D, D), 0)
  col = lax.broadcasted_iota(jnp.int32, (D, D), 1)
  eye = jnp.where(row == col, 1.0, 0.0).astype(jnp.float32)
  dims = (((0,), (0,)), ((), ()))
  xa = jax.lax.dot_general(embt_a_ref[...], eye, dims,
                           preferred_element_type=jnp.float32)
  xb = jax.lax.dot_general(embt_b_ref[...], eye, dims,
                           preferred_element_type=jnp.float32)
  out_ref[:, :D] = xa
  out_ref[:, D:] = xb


def _sc_body(pk_hbm, lab_hbm, out_acc, out_cnt,
             lab_v, pk_v, xa_v, xb_v, qa_v, qb_v, ones_v, zb64, zb16,
             sem_b0, sem_b1, sem_la, sem_lb, sem_sc,
             sh_sums, sh_sq, sh_cnt):
  c = lax.axis_index("c")
  s = lax.axis_index("s")
  wid = s * NC + c
  pbase = wid * PCHUNK
  zv = jnp.zeros((16,), jnp.float32)
  ov = jnp.ones((16,), jnp.float32)
  in_sems = [sem_b0, sem_b1]

  cps_in = [
      pltpu.async_copy(pk_hbm.at[pl.ds(pbase + b * 128, 128)],
                       pk_v.at[pl.ds(b * 128, 128)], in_sems[b])
      for b in range(NB)
  ]
  hrows = H // 128
  cp_la = pltpu.async_copy(lab_hbm.at[pl.ds(wid * NB, NB)],
                           lab_v.at[pl.ds(0, NB)], sem_la)
  cp_lb = pltpu.async_copy(lab_hbm.at[pl.ds(hrows + wid * NB, NB)],
                           lab_v.at[pl.ds(NB, NB)], sem_lb)

  rows = KPAD // NS
  for i in range(rows):
    for j in range(4):
      zb64[i, pl.ds(j * 16, 16)] = zv
    zb16[i, :] = zv
  pltpu.sync_copy(zb64, sh_sums.at[pl.ds(s * rows, rows)])
  pltpu.sync_copy(zb64, sh_sq.at[pl.ds(s * rows, rows)])
  pltpu.sync_copy(zb16, sh_cnt.at[pl.ds(s * rows, rows)])

  def ones_body(i, carry):
    ones_v[i, :] = ov
    return carry
  lax.fori_loop(0, 128, ones_body, 0)

  plsc.subcore_barrier()
  cp_la.wait()
  cp_lb.wait()

  cps = []
  for b in range(NB):
    cps_in[b].wait()

    @plsc.parallel_loop(0, 128, unroll=4)
    def row_body(r):
      for j in range(D // 16):
        va = pk_v[b * 128 + r, pl.ds(j * 16, 16)]
        vb = pk_v[b * 128 + r, pl.ds(D + j * 16, 16)]
        xa_v[b, r, pl.ds(j * 16, 16)] = va
        xb_v[b, r, pl.ds(j * 16, 16)] = vb
        qa_v[b, r, pl.ds(j * 16, 16)] = va * va
        qb_v[b, r, pl.ds(j * 16, 16)] = vb * vb

    for src_x, src_q, lrow in ((xa_v, qa_v, b), (xb_v, qb_v, NB + b)):
      idx = lab_v.at[lrow]
      cps.append(pltpu.async_copy(src_x.at[b], sh_sums.at[idx],
                                  sem_sc, add=True))
      cps.append(pltpu.async_copy(src_q.at[b], sh_sq.at[idx],
                                  sem_sc, add=True))
      cps.append(pltpu.async_copy(ones_v, sh_cnt.at[idx], sem_sc, add=True))
  for cp in cps:
    cp.wait()

  plsc.subcore_barrier()

  @pl.when(s == 0)
  def _dump():
    pltpu.sync_copy(sh_sums, out_acc.at[c, :, pl.ds(0, D)])
    pltpu.sync_copy(sh_sq, out_acc.at[c, :, pl.ds(D, D)])
    pltpu.sync_copy(sh_cnt, out_cnt.at[c])


@functools.partial(
    pl.kernel,
    out_type=(
        jax.ShapeDtypeStruct((NC, KPAD, 2 * D), jnp.float32),
        jax.ShapeDtypeStruct((NC, KPAD, CW), jnp.float32),
    ),
    mesh=plsc.VectorSubcoreMesh(
        core_axis_name="c", subcore_axis_name="s",
        num_cores=NC, num_subcores=NS),
    compiler_params=pltpu.CompilerParams(use_tc_tiling_on_sc=False),
    scratch_types=[
        pltpu.VMEM((2 * NB, 128), jnp.int32),
        pltpu.VMEM((PCHUNK, 2 * D), jnp.float32),
        pltpu.VMEM((NB, 128, D), jnp.float32),
        pltpu.VMEM((NB, 128, D), jnp.float32),
        pltpu.VMEM((NB, 128, D), jnp.float32),
        pltpu.VMEM((NB, 128, D), jnp.float32),
        pltpu.VMEM((128, CW), jnp.float32),
        pltpu.VMEM((KPAD // NS, D), jnp.float32),
        pltpu.VMEM((KPAD // NS, CW), jnp.float32),
        pltpu.SemaphoreType.DMA,
        pltpu.SemaphoreType.DMA,
        pltpu.SemaphoreType.DMA,
        pltpu.SemaphoreType.DMA,
        pltpu.SemaphoreType.DMA,
        pltpu.VMEM_SHARED((KPAD, D), jnp.float32),
        pltpu.VMEM_SHARED((KPAD, D), jnp.float32),
        pltpu.VMEM_SHARED((KPAD, CW), jnp.float32),
    ],
)
def _sc_partials(pk_hbm, lab_hbm, out_acc, out_cnt, *scratch):
  _sc_body(pk_hbm, lab_hbm, out_acc, out_cnt, *scratch)


def _tc_combine_body(acc_ref, cnt_ref, out_ref):
  acc = acc_ref[0] + acc_ref[1]
  sums = acc[:, :D]
  sq = acc[:, D:]
  cnt = cnt_ref[0, :, 0:1] + cnt_ref[1, :, 0:1]
  sumsq = jnp.sum(sq, axis=1, keepdims=True)
  normsq = jnp.sum(sums * sums, axis=1, keepdims=True)
  safe = jnp.maximum(cnt, 1.0)
  per_class = (sumsq - normsq / safe) / safe
  present = cnt > 0.0
  n_unique = jnp.sum(present.astype(jnp.float32))
  out_ref[0, 0] = jnp.sum(jnp.where(present, per_class, 0.0)) / n_unique


def kernel(embeddings, labels):
  lab = labels.astype(jnp.int32).reshape(N // 128, 128)
  packed = pl.pallas_call(
      _pack_body,
      grid=(H // PB,),
      in_specs=[
          pl.BlockSpec((D, PB), lambda i: (0, i)),
          pl.BlockSpec((D, PB), lambda i: (0, i + H // PB)),
      ],
      out_specs=pl.BlockSpec((PB, 2 * D), lambda i: (i, 0)),
      out_shape=jax.ShapeDtypeStruct((H, 2 * D), jnp.float32),
  )(embeddings.T, embeddings.T)
  acc_p, cnt_p = _sc_partials(packed, lab)
  loss = pl.pallas_call(
      _tc_combine_body,
      out_shape=jax.ShapeDtypeStruct((1, 1), jnp.float32),
      out_specs=pl.BlockSpec(memory_space=pltpu.SMEM),
  )(acc_p, cnt_p)
  return loss[0, 0]

# --- scband reference (transcript-rebuilt; emitter-appended) ---
"""Pipeline reference for scband-centroid-alignment-loss-549755813958 (READ-ONLY COPY).

The authoritative reference and input builder live on the scoring server;
editing this copy changes nothing except your own understanding.
"""

import jax, jax.numpy as jnp
import numpy as np

N = 16384
D = 64
K = 100

def setup_inputs(seed: int = 0) -> dict:
    key = jax.random.key(seed)
    k1, k2 = jax.random.split(key)
    embeddings = jax.random.normal(k1, (N, D), dtype=jnp.float32)
    labels = jax.random.randint(k2, (N,), 0, K, dtype=jnp.int64)
    return {"embeddings": embeddings, "labels": labels}

def reference(embeddings, labels):
    # counts per class and class sums via segment ops (bounded by K classes)
    counts = jnp.bincount(labels, length=K).astype(embeddings.dtype)  # [K]
    sums = jax.ops.segment_sum(embeddings, labels, num_segments=K)    # [K, D]
    safe_counts = jnp.maximum(counts, 1.0)
    centroids = sums / safe_counts[:, None]                           # [K, D]
    # squared distance of each sample to its class centroid
    diff = embeddings - centroids[labels]                             # [N, D]
    sq = jnp.sum(diff * diff, axis=1)                                 # [N]
    per_class = jax.ops.segment_sum(sq, labels, num_segments=K)       # [K]
    per_class_loss = per_class / safe_counts
    present = counts > 0
    n_unique = jnp.sum(present.astype(embeddings.dtype))
    loss = jnp.sum(jnp.where(present, per_class_loss, 0.0)) / n_unique
    return loss

if __name__ == "__main__":
    import jax
    _d = setup_inputs()
    print(jax.jit(kernel)(*tuple(_d.values())))

</pallas_src>

<mosaic_0001>
#map = affine_map<(d0, d1) -> (0, 0)>
#map1 = affine_map<(d0, d1) -> (0, 0, 0)>
module attributes {stable_mosaic.version = 14 : i64} {
  func.func @_sc_partials(%arg0: i32, %arg1: i32, %arg2: memref<8192x128xf32, #tpu.memory_space<hbm>>, %arg3: memref<128x128xi32, #tpu.memory_space<hbm>>, %arg4: memref<2x128x128xf32, #tpu.memory_space<hbm>>, %arg5: memref<2x128x16xf32, #tpu.memory_space<hbm>>, %arg6: memref<4x128xi32, #tpu.memory_space<vmem>>, %arg7: memref<256x128xf32, #tpu.memory_space<vmem>>, %arg8: memref<2x128x64xf32, #tpu.memory_space<vmem>>, %arg9: memref<2x128x64xf32, #tpu.memory_space<vmem>>, %arg10: memref<2x128x64xf32, #tpu.memory_space<vmem>>, %arg11: memref<2x128x64xf32, #tpu.memory_space<vmem>>, %arg12: memref<128x16xf32, #tpu.memory_space<vmem>>, %arg13: memref<8x64xf32, #tpu.memory_space<vmem>>, %arg14: memref<8x16xf32, #tpu.memory_space<vmem>>, %arg15: memref<!tpu.dma_semaphore, #tpu.memory_space<semaphore_mem>>, %arg16: memref<!tpu.dma_semaphore, #tpu.memory_space<semaphore_mem>>, %arg17: memref<!tpu.dma_semaphore, #tpu.memory_space<semaphore_mem>>, %arg18: memref<!tpu.dma_semaphore, #tpu.memory_space<semaphore_mem>>, %arg19: memref<!tpu.dma_semaphore, #tpu.memory_space<semaphore_mem>>, %arg20: memref<128x64xf32, #tpu.memory_space<vmem_shared>>, %arg21: memref<128x64xf32, #tpu.memory_space<vmem_shared>>, %arg22: memref<128x16xf32, #tpu.memory_space<vmem_shared>>) attributes {dimension_semantics = [#tpu.dimension_semantics<core_parallel>, #tpu.dimension_semantics<subcore_parallel>], iteration_bounds = array<i64: 2, 16>, scalar_prefetch = 0 : i64, scratch_operands = 17 : i64, tpu.core_type = #tpu.core_type<sc_vector_subcore>, window_params = [{transform_indices = #map}, {transform_indices = #map}, {transform_indices = #map1}, {transform_indices = #map1}]} {
    %mul3A = arith.constant 2 : i32
    %mul3A_0 = arith.muli %arg1, %mul3A : i32
    %add3A = arith.addi %mul3A_0, %arg0 : i32
    %mul3A_1 = arith.constant 256 : i32
    %mul3A_2 = arith.muli %add3A, %mul3A_1 : i32
    %broadcast_in_dim3A = arith.constant 0.000000e+00 : f32
    %broadcast_in_dim3A_3 = vector.broadcast %broadcast_in_dim3A : f32 to vector<16xf32>
    %broadcast_in_dim3A_4 = arith.constant 1.000000e+00 : f32
    %broadcast_in_dim3A_5 = vector.broadcast %broadcast_in_dim3A_4 : f32 to vector<16xf32>
    %add3A_6 = arith.constant 0 : i32
    %add3A_7 = arith.addi %mul3A_2, %add3A_6 : i32
    %dma_start3A = arith.constant 0 : i32
    %dma_start3A_8 = arith.constant 0 : i32
    %dma_start3A_9 = tpu.memref_slice %arg7[%dma_start3A, %dma_start3A_8] : memref<256x128xf32, #tpu.memory_space<vmem>> -> memref<128x128xf32, #tpu.memory_space<vmem>>
    %dma_start3A_10 = arith.constant 0 : i32
    %dma_start3A_11 = tpu.memref_slice %arg2[%add3A_7, %dma_start3A_10] : memref<8192x128xf32, #tpu.memory_space<hbm>> -> memref<128x128xf32, #tpu.memory_space<hbm>>
    %dma_start3A_12 = arith.constant 0 : i32
    %dma_start3A_13 = arith.constant 0 : i32
    %dma_start3A_14 = tpu.memref_slice %arg7[%dma_start3A_12, %dma_start3A_13] : memref<256x128xf32, #tpu.memory_space<vmem>> -> memref<128x128xf32, #tpu.memory_space<vmem>>
    %dma_start3A_15 = arith.constant 0 : i32
    %dma_start3A_16 = tpu.memref_slice %arg2[%add3A_7, %dma_start3A_15] : memref<8192x128xf32, #tpu.memory_space<hbm>> -> memref<128x128xf32, #tpu.memory_space<hbm>>
    tpu.enqueue_dma source(%dma_start3A_16 : memref<128x128xf32, #tpu.memory_space<hbm>>) target(%dma_start3A_14 : memref<128x128xf32, #tpu.memory_space<vmem>>) target_semaphore(%arg15 : memref<!tpu.dma_semaphore, #tpu.memory_space<semaphore_mem>>)
    %add3A_17 = arith.constant 128 : i32
    %add3A_18 = arith.addi %mul3A_2, %add3A_17 : i32
    %dma_start3A_19 = arith.constant 128 : i32
    %dma_start3A_20 = arith.constant 0 : i32
    %dma_start3A_21 = tpu.memref_slice %arg7[%dma_start3A_19, %dma_start3A_20] : memref<256x128xf32, #tpu.memory_space<vmem>> -> memref<128x128xf32, #tpu.memory_space<vmem>>
    %dma_start3A_22 = arith.constant 0 : i32
    %dma_start3A_23 = tpu.memref_slice %arg2[%add3A_18, %dma_start3A_22] : memref<8192x128xf32, #tpu.memory_space<hbm>> -> memref<128x128xf32, #tpu.memory_space<hbm>>
    %dma_start3A_24 = arith.constant 128 : i32
    %dma_start3A_25 = arith.constant 0 : i32
    %dma_start3A_26 = tpu.memref_slice %arg7[%dma_start3A_24, %dma_start3A_25] : memref<256x128xf32, #tpu.memory_space<vmem>> -> memref<128x128xf32, #tpu.memory_space<vmem>>
    %dma_start3A_27 = arith.constant 0 : i32
    %dma_start3A_28 = tpu.memref_slice %arg2[%add3A_18, %dma_start3A_27] : memref<8192x128xf32, #tpu.memory_space<hbm>> -> memref<128x128xf32, #tpu.memory_space<hbm>>
    tpu.enqueue_dma source(%dma_start3A_28 : memref<128x128xf32, #tpu.memory_space<hbm>>) target(%dma_start3A_26 : memref<128x128xf32, #tpu.memory_space<vmem>>) target_semaphore(%arg16 : memref<!tpu.dma_semaphore, #tpu.memory_space<semaphore_mem>>)
    %mul3A_29 = arith.constant 2 : i32
    %mul3A_30 = arith.muli %add3A, %mul3A_29 : i32
    %dma_start3A_31 = arith.constant 0 : i32
    %dma_start3A_32 = arith.constant 0 : i32
    %dma_start3A_33 = tpu.memref_slice %arg6[%dma_start3A_31, %dma_start3A_32] : memref<4x128xi32, #tpu.memory_space<vmem>> -> memref<2x128xi32, #tpu.memory_space<vmem>>
    %dma_start3A_34 = arith.constant 0 : i32
    %dma_start3A_35 = tpu.memref_slice %arg3[%mul3A_30, %dma_start3A_34] : memref<128x128xi32, #tpu.memory_space<hbm>> -> memref<2x128xi32, #tpu.memory_space<hbm>>
    %dma_start3A_36 = arith.constant 0 : i32
    %dma_start3A_37 = arith.constant 0 : i32
    %dma_start3A_38 = tpu.memref_slice %arg6[%dma_start3A_36, %dma_start3A_37] : memref<4x128xi32, #tpu.memory_space<vmem>> -> memref<2x128xi32, #tpu.memory_space<vmem>>
    %dma_start3A_39 = arith.constant 0 : i32
    %dma_start3A_40 = tpu.memref_slice %arg3[%mul3A_30, %dma_start3A_39] : memref<128x128xi32, #tpu.memory_space<hbm>> -> memref<2x128xi32, #tpu.memory_space<hbm>>
    tpu.enqueue_dma source(%dma_start3A_40 : memref<2x128xi32, #tpu.memory_space<hbm>>) target(%dma_start3A_38 : memref<2x128xi32, #tpu.memory_space<vmem>>) target_semaphore(%arg17 : memref<!tpu.dma_semaphore, #tpu.memory_space<semaphore_mem>>)
    %mul3A_41 = arith.constant 2 : i32
    %mul3A_42 = arith.muli %add3A, %mul3A_41 : i32
    %add3A_43 = arith.constant 64 : i32
    %add3A_44 = arith.addi %add3A_43, %mul3A_42 : i32
    %dma_start3A_45 = arith.constant 2 : i32
    %dma_start3A_46 = arith.constant 0 : i32
    %dma_start3A_47 = tpu.memref_slice %arg6[%dma_start3A_45, %dma_start3A_46] : memref<4x128xi32, #tpu.memory_space<vmem>> -> memref<2x128xi32, #tpu.memory_space<vmem>>
    %dma_start3A_48 = arith.constant 0 : i32
    %dma_start3A_49 = tpu.memref_slice %arg3[%add3A_44, %dma_start3A_48] : memref<128x128xi32, #tpu.memory_space<hbm>> -> memref<2x128xi32, #tpu.memory_space<hbm>>
    %dma_start3A_50 = arith.constant 2 : i32
    %dma_start3A_51 = arith.constant 0 : i32
    %dma_start3A_52 = tpu.memref_slice %arg6[%dma_start3A_50, %dma_start3A_51] : memref<4x128xi32, #tpu.memory_space<vmem>> -> memref<2x128xi32, #tpu.memory_space<vmem>>
    %dma_start3A_53 = arith.constant 0 : i32
    %dma_start3A_54 = tpu.memref_slice %arg3[%add3A_44, %dma_start3A_53] : memref<128x128xi32, #tpu.memory_space<hbm>> -> memref<2x128xi32, #tpu.memory_space<hbm>>
    tpu.enqueue_dma source(%dma_start3A_54 : memref<2x128xi32, #tpu.memory_space<hbm>>) target(%dma_start3A_52 : memref<2x128xi32, #tpu.memory_space<vmem>>) target_semaphore(%arg18 : memref<!tpu.dma_semaphore, #tpu.memory_space<semaphore_mem>>)
    %swap3A = arith.constant 0 : i32
    %swap3A_55 = arith.index_cast %swap3A : i32 to index
    %swap3A_56 = arith.constant 0 : index
    %swap3A_57 = tpu.vector_load %arg13[%swap3A_55, %swap3A_56] {strides = array<i32>} : memref<8x64xf32, #tpu.memory_space<vmem>>, vector<1x16xf32>,
    %swap3A_58 = vector.shape_cast %swap3A_57 : vector<1x16xf32> to vector<16xf32>
    %swap3A_59 = vector.shape_cast %broadcast_in_dim3A_3 : vector<16xf32> to vector<1x16xf32>
    tpu.vector_store %arg13[%swap3A_55, %swap3A_56], %swap3A_59 {strides = array<i32>} : memref<8x64xf32, #tpu.memory_space<vmem>>, vector<1x16xf32>,
    %swap3A_60 = arith.constant 0 : i32
    %swap3A_61 = arith.index_cast %swap3A_60 : i32 to index
    %swap3A_62 = arith.constant 16 : index
    %swap3A_63 = tpu.vector_load %arg13[%swap3A_61, %swap3A_62] {strides = array<i32>} : memref<8x64xf32, #tpu.memory_space<vmem>>, vector<1x16xf32>,
    %swap3A_64 = vector.shape_cast %swap3A_63 : vector<1x16xf32> to vector<16xf32>
    %swap3A_65 = vector.shape_cast %broadcast_in_dim3A_3 : vector<16xf32> to vector<1x16xf32>
    tpu.vector_store %arg13[%swap3A_61, %swap3A_62], %swap3A_65 {strides = array<i32>} : memref<8x64xf32, #tpu.memory_space<vmem>>, vector<1x16xf32>,
    %swap3A_66 = arith.constant 0 : i32
    %swap3A_67 = arith.index_cast %swap3A_66 : i32 to index
    %swap3A_68 = arith.constant 32 : index
    %swap3A_69 = tpu.vector_load %arg13[%swap3A_67, %swap3A_68] {strides = array<i32>} : memref<8x64xf32, #tpu.memory_space<vmem>>, vector<1x16xf32>,
    %swap3A_70 = vector.shape_cast %swap3A_69 : vector<1x16xf32> to vector<16xf32>
    %swap3A_71 = vector.shape_cast %broadcast_in_dim3A_3 : vector<16xf32> to vector<1x16xf32>
    tpu.vector_store %arg13[%swap3A_67, %swap3A_68], %swap3A_71 {strides = array<i32>} : memref<8x64xf32, #tpu.memory_space<vmem>>, vector<1x16xf32>,
    %swap3A_72 = arith.constant 0 : i32
    %swap3A_73 = arith.index_cast %swap3A_72 : i32 to index
    %swap3A_74 = arith.constant 48 : index
    %swap3A_75 = tpu.vector_load %arg13[%swap3A_73, %swap3A_74] {strides = array<i32>} : memref<8x64xf32, #tpu.memory_space<vmem>>, vector<1x16xf32>,
    %swap3A_76 = vector.shape_cast %swap3A_75 : vector<1x16xf32> to vector<16xf32>
    %swap3A_77 = vector.shape_cast %broadcast_in_dim3A_3 : vector<16xf32> to vector<1x16xf32>
    tpu.vector_store %arg13[%swap3A_73, %swap3A_74], %swap3A_77 {strides = array<i32>} : memref<8x64xf32, #tpu.memory_space<vmem>>, vector<1x16xf32>,
    %swap3A_78 = arith.constant 0 : i32
    %swap3A_79 = arith.index_cast %swap3A_78 : i32 to index
    %swap3A_80 = arith.constant 0 : index
    %swap3A_81 = tpu.vector_load %arg14[%swap3A_79, %swap3A_80] {strides = array<i32>} : memref<8x16xf32, #tpu.memory_space<vmem>>, vector<1x16xf32>,
    %swap3A_82 = vector.shape_cast %swap3A_81 : vector<1x16xf32> to vector<16xf32>
    %swap3A_83 = vector.shape_cast %broadcast_in_dim3A_3 : vector<16xf32> to vector<1x16xf32>
    tpu.vector_store %arg14[%swap3A_79, %swap3A_80], %swap3A_83 {strides = array<i32>} : memref<8x16xf32, #tpu.memory_space<vmem>>, vector<1x16xf32>,
    %swap3A_84 = arith.constant 1 : i32
    %swap3A_85 = arith.index_cast %swap3A_84 : i32 to index
    %swap3A_86 = arith.constant 0 : index
    %swap3A_87 = tpu.vector_load %arg13[%swap3A_85, %swap3A_86] {strides = array<i32>} : memref<8x64xf32, #tpu.memory_space<vmem>>, vector<1x16xf32>,
    %swap3A_88 = vector.shape_cast %swap3A_87 : vector<1x16xf32> to vector<16xf32>
    %swap3A_89 = vector.shape_cast %broadcast_in_dim3A_3 : vector<16xf32> to vector<1x16xf32>
    tpu.vector_store %arg13[%swap3A_85, %swap3A_86], %swap3A_89 {strides = array<i32>} : memref<8x64xf32, #tpu.memory_space<vmem>>, vector<1x16xf32>,
    %swap3A_90 = arith.constant 1 : i32
    %swap3A_91 = arith.index_cast %swap3A_90 : i32 to index
    %swap3A_92 = arith.constant 16 : index
    %swap3A_93 = tpu.vector_load %arg13[%swap3A_91, %swap3A_92] {strides = array<i32>} : memref<8x64xf32, #tpu.memory_space<vmem>>, vector<1x16xf32>,
    %swap3A_94 = vector.shape_cast %swap3A_93 : vector<1x16xf32> to vector<16xf32>
    %swap3A_95 = vector.shape_cast %broadcast_in_dim3A_3 : vector<16xf32> to vector<1x16xf32>
    tpu.vector_store %arg13[%swap3A_91, %swap3A_92], %swap3A_95 {strides = array<i32>} : memref<8x64xf32, #tpu.memory_space<vmem>>, vector<1x16xf32>,
    %swap3A_96 = arith.constant 1 : i32
    %swap3A_97 = arith.index_cast %swap3A_96 : i32 to index
    %swap3A_98 = arith.constant 32 : index
    %swap3A_99 = tpu.vector_load %arg13[%swap3A_97, %swap3A_98] {strides = array<i32>} : memref<8x64xf32, #tpu.memory_space<vmem>>, vector<1x16xf32>,
    %swap3A_100 = vector.shape_cast %swap3A_99 : vector<1x16xf32> to vector<16xf32>
    %swap3A_101 = vector.shape_cast %broadcast_in_dim3A_3 : vector<16xf32> to vector<1x16xf32>
    tpu.vector_store %arg13[%swap3A_97, %swap3A_98], %swap3A_101 {strides = array<i32>} : memref<8x64xf32, #tpu.memory_space<vmem>>, vector<1x16xf32>,
    %swap3A_102 = arith.constant 1 : i32
    %swap3A_103 = arith.index_cast %swap3A_102 : i32 to index
    %swap3A_104 = arith.constant 48 : index
    %swap3A_105 = tpu.vector_load %arg13[%swap3A_103, %swap3A_104] {strides = array<i32>} : memref<8x64xf32, #tpu.memory_space<vmem>>, vector<1x16xf32>,
    %swap3A_106 = vector.shape_cast %swap3A_105 : vector<1x16xf32> to vector<16xf32>
    %swap3A_107 = vector.shape_cast %broadcast_in_dim3A_3 : vector<16xf32> to vector<1x16xf32>
    tpu.vector_store %arg13[%swap3A_103, %swap3A_104], %swap3A_107 {strides = array<i32>} : memref<8x64xf32, #tpu.memory_space<vmem>>, vector<1x16xf32>,
    %swap3A_108 = arith.constant 1 : i32
    %swap3A_109 = arith.index_cast %swap3A_108 : i32 to index
    %swap3A_110 = arith.constant 0 : index
    %swap3A_111 = tpu.vector_load %arg14[%swap3A_109, %swap3A_110] {strides = array<i32>} : memref<8x16xf32, #tpu.memory_space<vmem>>, vector<1x16xf32>,
    %swap3A_112 = vector.shape_cast %swap3A_111 : vector<1x16xf32> to vector<16xf32>
    %swap3A_113 = vector.shape_cast %broadcast_in_dim3A_3 : vector<16xf32> to vector<1x16xf32>
    tpu.vector_store %arg14[%swap3A_109, %swap3A_110], %swap3A_113 {strides = array<i32>} : memref<8x16xf32, #tpu.memory_space<vmem>>, vector<1x16xf32>,
    %swap3A_114 = arith.constant 2 : i32
    %swap3A_115 = arith.index_cast %swap3A_114 : i32 to index
    %swap3A_116 = arith.constant 0 : index
    %swap3A_117 = tpu.vector_load %arg13[%swap3A_115, %swap3A_116] {strides = array<i32>} : memref<8x64xf32, #tpu.memory_space<vmem>>, vector<1x16xf32>,
    %swap3A_118 = vector.shape_cast %swap3A_117 : vector<1x16xf32> to vector<16xf32>
    %swap3A_119 = vector.shape_cast %broadcast_in_dim3A_3 : vector<16xf32> to vector<1x16xf32>
    tpu.vector_store %arg13[%swap3A_115, %swap3A_116], %swap3A_119 {strides = array<i32>} : memref<8x64xf32, #tpu.memory_space<vmem>>, vector<1x16xf32>,
    %swap3A_120 = arith.constant 2 : i32
    %swap3A_121 = arith.index_cast %swap3A_120 : i32 to index
    %swap3A_122 = arith.constant 16 : index
    %swap3A_123 = tpu.vector_load %arg13[%swap3A_121, %swap3A_122] {strides = array<i32>} : memref<8x64xf32, #tpu.memory_space<vmem>>, vector<1x16xf32>,
    %swap3A_124 = vector.shape_cast %swap3A_123 : vector<1x16xf32> to vector<16xf32>
    %swap3A_125 = vector.shape_cast %broadcast_in_dim3A_3 : vector<16xf32> to vector<1x16xf32>
    tpu.vector_store %arg13[%swap3A_121, %swap3A_122], %swap3A_125 {strides = array<i32>} : memref<8x64xf32, #tpu.memory_space<vmem>>, vector<1x16xf32>,
    %swap3A_126 = arith.constant 2 : i32
    %swap3A_127 = arith.index_cast %swap3A_126 : i32 to index
    %swap3A_128 = arith.constant 32 : index
    %swap3A_129 = tpu.vector_load %arg13[%swap3A_127, %swap3A_128] {strides = array<i32>} : memref<8x64xf32, #tpu.memory_space<vmem>>, vector<1x16xf32>,
    %swap3A_130 = vector.shape_cast %swap3A_129 : vector<1x16xf32> to vector<16xf32>
    %swap3A_131 = vector.shape_cast %broadcast_in_dim3A_3 : vector<16xf32> to vector<1x16xf32>
    tpu.vector_store %arg13[%swap3A_127, %swap3A_128], %swap3A_131 {strides = array<i32>} : memref<8x64xf32, #tpu.memory_space<vmem>>, vector<1x16xf32>,
    %swap3A_132 = arith.constant 2 : i32
    %swap3A_133 = arith.index_cast %swap3A_132 : i32 to index
    %swap3A_134 = arith.constant 48 : index
    %swap3A_135 = tpu.vector_load %arg13[%swap3A_133, %swap3A_134] {strides = array<i32>} : memref<8x64xf32, #tpu.memory_space<vmem>>, vector<1x16xf32>,
    %swap3A_136 = vector.shape_cast %swap3A_135 : vector<1x16xf32> to vector<16xf32>
    %swap3A_137 = vector.shape_cast %broadcast_in_dim3A_3 : vector<16xf32> to vector<1x16xf32>
    tpu.vector_store %arg13[%swap3A_133, %swap3A_134], %swap3A_137 {strides = array<i32>} : memref<8x64xf32, #tpu.memory_space<vmem>>, vector<1x16xf32>,
    %swap3A_138 = arith.constant 2 : i32
    %swap3A_139 = arith.index_cast %swap3A_138 : i32 to index
    %swap3A_140 = arith.constant 0 : index
    %swap3A_141 = tpu.vector_load %arg14[%swap3A_139, %swap3A_140] {strides = array<i32>} : memref<8x16xf32, #tpu.memory_space<vmem>>, vector<1x16xf32>,
    %swap3A_142 = vector.shape_cast %swap3A_141 : vector<1x16xf32> to vector<16xf32>
    %swap3A_143 = vector.shape_cast %broadcast_in_dim3A_3 : vector<16xf32> to vector<1x16xf32>
    tpu.vector_store %arg14[%swap3A_139, %swap3A_140], %swap3A_143 {strides = array<i32>} : memref<8x16xf32, #tpu.memory_space<vmem>>, vector<1x16xf32>,
    %swap3A_144 = arith.constant 3 : i32
    %swap3A_145 = arith.index_cast %swap3A_144 : i32 to index
    %swap3A_146 = arith.constant 0 : index
    %swap3A_147 = tpu.vector_load %arg13[%swap3A_145, %swap3A_146] {strides = array<i32>} : memref<8x64xf32, #tpu.memory_space<vmem>>, vector<1x16xf32>,
    %swap3A_148 = vector.shape_cast %swap3A_147 : vector<1x16xf32> to vector<16xf32>
    %swap3A_149 = vector.shape_cast %broadcast_in_dim3A_3 : vector<16xf32> to vector<1x16xf32>
    tpu.vector_store %arg13[%swap3A_145, %swap3A_146], %swap3A_149 {strides = array<i32>} : memref<8x64xf32, #tpu.memory_space<vmem>>, vector<1x16xf32>,
    %swap3A_150 = arith.constant 3 : i32
    %swap3A_151 = arith.index_cast %swap3A_150 : i32 to index
    %swap3A_152 = arith.constant 16 : index
    %swap3A_153 = tpu.vector_load %arg13[%swap3A_151, %swap3A_152] {strides = array<i32>} : memref<8x64xf32, #tpu.memory_space<vmem>>, vector<1x16xf32>,
    %swap3A_154 = vector.shape_cast %swap3A_153 : vector<1x16xf32> to vector<16xf32>
    %swap3A_155 = vector.shape_cast %broadcast_in_dim3A_3 : vector<16xf32> to vector<1x16xf32>
    tpu.vector_store %arg13[%swap3A_151, %swap3A_152], %swap3A_155 {strides = array<i32>} : memref<8x64xf32, #tpu.memory_space<vmem>>, vector<1x16xf32>,
    %swap3A_156 = arith.constant 3 : i32
    %swap3A_157 = arith.index_cast %swap3A_156 : i32 to index
    %swap3A_158 = arith.constant 32 : index
    %swap3A_159 = tpu.vector_load %arg13[%swap3A_157, %swap3A_158] {strides = array<i32>} : memref<8x64xf32, #tpu.memory_space<vmem>>, vector<1x16xf32>,
    %swap3A_160 = vector.shape_cast %swap3A_159 : vector<1x16xf32> to vector<16xf32>
    %swap3A_161 = vector.shape_cast %broadcast_in_dim3A_3 : vector<16xf32> to vector<1x16xf32>
    tpu.vector_store %arg13[%swap3A_157, %swap3A_158], %swap3A_161 {strides = array<i32>} : memref<8x64xf32, #tpu.memory_space<vmem>>, vector<1x16xf32>,
    %swap3A_162 = arith.constant 3 : i32
    %swap3A_163 = arith.index_cast %swap3A_162 : i32 to index
    %swap3A_164 = arith.constant 48 : index
    %swap3A_165 = tpu.vector_load %arg13[%swap3A_163, %swap3A_164] {strides = array<i32>} : memref<8x64xf32, #tpu.memory_space<vmem>>, vector<1x16xf32>,
    %swap3A_166 = vector.shape_cast %swap3A_165 : vector<1x16xf32> to vector<16xf32>
    %swap3A_167 = vector.shape_cast %broadcast_in_dim3A_3 : vector<16xf32> to vector<1x16xf32>
    tpu.vector_store %arg13[%swap3A_163, %swap3A_164], %swap3A_167 {strides = array<i32>} : memref<8x64xf32, #tpu.memory_space<vmem>>, vector<1x16xf32>,
    %swap3A_168 = arith.constant 3 : i32
    %swap3A_169 = arith.index_cast %swap3A_168 : i32 to index
    %swap3A_170 = arith.constant 0 : index
    %swap3A_171 = tpu.vector_load %arg14[%swap3A_169, %swap3A_170] {strides = array<i32>} : memref<8x16xf32, #tpu.memory_space<vmem>>, vector<1x16xf32>,
    %swap3A_172 = vector.shape_cast %swap3A_171 : vector<1x16xf32> to vector<16xf32>
    %swap3A_173 = vector.shape_cast %broadcast_in_dim3A_3 : vector<16xf32> to vector<1x16xf32>
    tpu.vector_store %arg14[%swap3A_169, %swap3A_170], %swap3A_173 {strides = array<i32>} : memref<8x16xf32, #tpu.memory_space<vmem>>, vector<1x16xf32>,
    %swap3A_174 = arith.constant 4 : i32
    %swap3A_175 = arith.index_cast %swap3A_174 : i32 to index
    %swap3A_176 = arith.constant 0 : index
    %swap3A_177 = tpu.vector_load %arg13[%swap3A_175, %swap3A_176] {strides = array<i32>} : memref<8x64xf32, #tpu.memory_space<vmem>>, vector<1x16xf32>,
    %swap3A_178 = vector.shape_cast %swap3A_177 : vector<1x16xf32> to vector<16xf32>
    %swap3A_179 = vector.shape_cast %broadcast_in_dim3A_3 : vector<16xf32> to vector<1x16xf32>
    tpu.vector_store %arg13[%swap3A_175, %swap3A_176], %swap3A_179 {strides = array<i32>} : memref<8x64xf32, #tpu.memory_space<vmem>>, vector<1x16xf32>,
    %swap3A_180 = arith.constant 4 : i32
    %swap3A_181 = arith.index_cast %swap3A_180 : i32 to index
    %swap3A_182 = arith.constant 16 : index
    %swap3A_183 = tpu.vector_load %arg13[%swap3A_181, %swap3A_182] {strides = array<i32>} : memref<8x64xf32, #tpu.memory_space<vmem>>, vector<1x16xf32>,
    %swap3A_184 = vector.shape_cast %swap3A_183 : vector<1x16xf32> to vector<16xf32>
    %swap3A_185 = vector.shape_cast %broadcast_in_dim3A_3 : vector<16xf32> to vector<1x16xf32>
    tpu.vector_store %arg13[%swap3A_181, %swap3A_182], %swap3A_185 {strides = array<i32>} : memref<8x64xf32, #tpu.memory_space<vmem>>, vector<1x16xf32>,
    %swap3A_186 = arith.constant 4 : i32
    %swap3A_187 = arith.index_cast %swap3A_186 : i32 to index
    %swap3A_188 = arith.constant 32 : index
    %swap3A_189 = tpu.vector_load %arg13[%swap3A_187, %swap3A_188] {strides = array<i32>} : memref<8x64xf32, #tpu.memory_space<vmem>>, vector<1x16xf32>,
    %swap3A_190 = vector.shape_cast %swap3A_189 : vector<1x16xf32> to vector<16xf32>
    %swap3A_191 = vector.shape_cast %broadcast_in_dim3A_3 : vector<16xf32> to vector<1x16xf32>
    tpu.vector_store %arg13[%swap3A_187, %swap3A_188], %swap3A_191 {strides = array<i32>} : memref<8x64xf32, #tpu.memory_space<vmem>>, vector<1x16xf32>,
    %swap3A_192 = arith.constant 4 : i32
    %swap3A_193 = arith.index_cast %swap3A_192 : i32 to index
    %swap3A_194 = arith.constant 48 : index
    %swap3A_195 = tpu.vector_load %arg13[%swap3A_193, %swap3A_194] {strides = array<i32>} : memref<8x64xf32, #tpu.memory_space<vmem>>, vector<1x16xf32>,
    %swap3A_196 = vector.shape_cast %swap3A_195 : vector<1x16xf32> to vector<16xf32>
    %swap3A_197 = vector.shape_cast %broadcast_in_dim3A_3 : vector<16xf32> to vector<1x16xf32>
    tpu.vector_store %arg13[%swap3A_193, %swap3A_194], %swap3A_197 {strides = array<i32>} : memref<8x64xf32, #tpu.memory_space<vmem>>, vector<1x16xf32>,
    %swap3A_198 = arith.constant 4 : i32
    %swap3A_199 = arith.index_cast %swap3A_198 : i32 to index
    %swap3A_200 = arith.constant 0 : index
    %swap3A_201 = tpu.vector_load %arg14[%swap3A_199, %swap3A_200] {strides = array<i32>} : memref<8x16xf32, #tpu.memory_space<vmem>>, vector<1x16xf32>,
    %swap3A_202 = vector.shape_cast %swap3A_201 : vector<1x16xf32> to vector<16xf32>
    %swap3A_203 = vector.shape_cast %broadcast_in_dim3A_3 : vector<16xf32> to vector<1x16xf32>
    tpu.vector_store %arg14[%swap3A_199, %swap3A_200], %swap3A_203 {strides = array<i32>} : memref<8x16xf32, #tpu.memory_space<vmem>>, vector<1x16xf32>,
    %swap3A_204 = arith.constant 5 : i32
    %swap3A_205 = arith.index_cast %swap3A_204 : i32 to index
    %swap3A_206 = arith.constant 0 : index
    %swap3A_207 = tpu.vector_load %arg13[%swap3A_205, %swap3A_206] {strides = array<i32>} : memref<8x64xf32, #tpu.memory_space<vmem>>, vector<1x16xf32>,
    %swap3A_208 = vector.shape_cast %swap3A_207 : vector<1x16xf32> to vector<16xf32>
    %swap3A_209 = vector.shape_cast %broadcast_in_dim3A_3 : vector<16xf32> to vector<1x16xf32>
    tpu.vector_store %arg13[%swap3A_205, %swap3A_206], %swap3A_209 {strides = array<i32>} : memref<8x64xf32, #tpu.memory_space<vmem>>, vector<1x16xf32>,
    %swap3A_210 = arith.constant 5 : i32
    %swap3A_211 = arith.index_cast %swap3A_210 : i32 to index
    %swap3A_212 = arith.constant 16 : index
    %swap3A_213 = tpu.vector_load %arg13[%swap3A_211, %swap3A_212] {strides = array<i32>} : memref<8x64xf32, #tpu.memory_space<vmem>>, vector<1x16xf32>,
    %swap3A_214 = vector.shape_cast %swap3A_213 : vector<1x16xf32> to vector<16xf32>
    %swap3A_215 = vector.shape_cast %broadcast_in_dim3A_3 : vector<16xf32> to vector<1x16xf32>
    tpu.vector_store %arg13[%swap3A_211, %swap3A_212], %swap3A_215 {strides = array<i32>} : memref<8x64xf32, #tpu.memory_space<vmem>>, vector<1x16xf32>,
    %swap3A_216 = arith.constant 5 : i32
    %swap3A_217 = arith.index_cast %swap3A_216 : i32 to index
    %swap3A_218 = arith.constant 32 : index
    %swap3A_219 = tpu.vector_load %arg13[%swap3A_217, %swap3A_218] {strides = array<i32>} : memref<8x64xf32, #tpu.memory_space<vmem>>, vector<1x16xf32>,
    %swap3A_220 = vector.shape_cast %swap3A_219 : vector<1x16xf32> to vector<16xf32>
    %swap3A_221 = vector.shape_cast %broadcast_in_dim3A_3 : vector<16xf32> to vector<1x16xf32>
    tpu.vector_store %arg13[%swap3A_217, %swap3A_218], %swap3A_221 {strides = array<i32>} : memref<8x64xf32, #tpu.memory_space<vmem>>, vector<1x16xf32>,
    %swap3A_222 = arith.constant 5 : i32
    %swap3A_223 = arith.index_cast %swap3A_222 : i32 to index
    %swap3A_224 = arith.constant 48 : index
    %swap3A_225 = tpu.vector_load %arg13[%swap3A_223, %swap3A_224] {strides = array<i32>} : memref<8x64xf32, #tpu.memory_space<vmem>>, vector<1x16xf32>,
    %swap3A_226 = vector.shape_cast %swap3A_225 : vector<1x16xf32> to vector<16xf32>
    %swap3A_227 = vector.shape_cast %broadcast_in_dim3A_3 : vector<16xf32> to vector<1x16xf32>
    tpu.vector_store %arg13[%swap3A_223, %swap3A_224], %swap3A_227 {strides = array<i32>} : memref<8x64xf32, #tpu.memory_space<vmem>>, vector<1x16xf32>,
    %swap3A_228 = arith.constant 5 : i32
    %swap3A_229 = arith.index_cast %swap3A_228 : i32 to index
    %swap3A_230 = arith.constant 0 : index
    %swap3A_231 = tpu.vector_load %arg14[%swap3A_229, %swap3A_230] {strides = array<i32>} : memref<8x16xf32, #tpu.memory_space<vmem>>, vector<1x16xf32>,
    %swap3A_232 = vector.shape_cast %swap3A_231 : vector<1x16xf32> to vector<16xf32>
    %swap3A_233 = vector.shape_cast %broadcast_in_dim3A_3 : vector<16xf32> to vector<1x16xf32>
    tpu.vector_store %arg14[%swap3A_229, %swap3A_230], %swap3A_233 {strides = array<i32>} : memref<8x16xf32, #tpu.memory_space<vmem>>, vector<1x16xf32>,
    %swap3A_234 = arith.constant 6 : i32
    %swap3A_235 = arith.index_cast %swap3A_234 : i32 to index
    %swap3A_236 = arith.constant 0 : index
    %swap3A_237 = tpu.vector_load %arg13[%swap3A_235, %swap3A_236] {strides = array<i32>} : memref<8x64xf32, #tpu.memory_space<vmem>>, vector<1x16xf32>,
    %swap3A_238 = vector.shape_cast %swap3A_237 : vector<1x16xf32> to vector<16xf32>
    %swap3A_239 = vector.shape_cast %broadcast_in_dim3A_3 : vector<16xf32> to vector<1x16xf32>
    tpu.vector_store %arg13[%swap3A_235, %swap3A_236], %swap3A_239 {strides = array<i32>} : memref<8x64xf32, #tpu.memory_space<vmem>>, vector<1x16xf32>,
    %swap3A_240 = arith.constant 6 : i32
    %swap3A_241 = arith.index_cast %swap3A_240 : i32 to index
    %swap3A_242 = arith.constant 16 : index
    %swap3A_243 = tpu.vector_load %arg13[%swap3A_241, %swap3A_242] {strides = array<i32>} : memref<8x64xf32, #tpu.memory_space<vmem>>, vector<1x16xf32>,
    %swap3A_244 = vector.shape_cast %swap3A_243 : vector<1x16xf32> to vector<16xf32>
    %swap3A_245 = vector.shape_cast %broadcast_in_dim3A_3 : vector<16xf32> to vector<1x16xf32>
    tpu.vector_store %arg13[%swap3A_241, %swap3A_242], %swap3A_245 {strides = array<i32>} : memref<8x64xf32, #tpu.memory_space<vmem>>, vector<1x16xf32>,
    %swap3A_246 = arith.constant 6 : i32
    %swap3A_247 = arith.index_cast %swap3A_246 : i32 to index
    %swap3A_248 = arith.constant 32 : index
    %swap3A_249 = tpu.vector_load %arg13[%swap3A_247, %swap3A_248] {strides = array<i32>} : memref<8x64xf32, #tpu.memory_space<vmem>>, vector<1x16xf32>,
    %swap3A_250 = vector.shape_cast %swap3A_249 : vector<1x16xf32> to vector<16xf32>
    %swap3A_251 = vector.shape_cast %broadcast_in_dim3A_3 : vector<16xf32> to vector<1x16xf32>
    tpu.vector_store %arg13[%swap3A_247, %swap3A_248], %swap3A_251 {strides = array<i32>} : memref<8x64xf32, #tpu.memory_space<vmem>>, vector<1x16xf32>,
    %swap3A_252 = arith.constant 6 : i32
    %swap3A_253 = arith.index_cast %swap3A_252 : i32 to index
    %swap3A_254 = arith.constant 48 : index
    %swap3A_255 = tpu.vector_load %arg13[%swap3A_253, %swap3A_254] {strides = array<i32>} : memref<8x64xf32, #tpu.memory_space<vmem>>, vector<1x16xf32>,
    %swap3A_256 = vector.shape_cast %swap3A_255 : vector<1x16xf32> to vector<16xf32>
    %swap3A_257 = vector.shape_cast %broadcast_in_dim3A_3 : vector<16xf32> to vector<1x16xf32>
    tpu.vector_store %arg13[%swap3A_253, %swap3A_254], %swap3A_257 {strides = array<i32>} : memref<8x64xf32, #tpu.memory_space<vmem>>, vector<1x16xf32>,
    %swap3A_258 = arith.constant 6 : i32
    %swap3A_259 = arith.index_cast %swap3A_258 : i32 to index
    %swap3A_260 = arith.constant 0 : index
    %swap3A_261 = tpu.vector_load %arg14[%swap3A_259, %swap3A_260] {strides = array<i32>} : memref<8x16xf32, #tpu.memory_space<vmem>>, vector<1x16xf32>,
    %swap3A_262 = vector.shape_cast %swap3A_261 : vector<1x16xf32> to vector<16xf32>
    %swap3A_263 = vector.shape_cast %broadcast_in_dim3A_3 : vector<16xf32> to vector<1x16xf32>
    tpu.vector_store %arg14[%swap3A_259, %swap3A_260], %swap3A_263 {strides = array<i32>} : memref<8x16xf32, #tpu.memory_space<vmem>>, vector<1x16xf32>,
    %swap3A_264 = arith.constant 7 : i32
    %swap3A_265 = arith.index_cast %swap3A_264 : i32 to index
    %swap3A_266 = arith.constant 0 : index
    %swap3A_267 = tpu.vector_load %arg13[%swap3A_265, %swap3A_266] {strides = array<i32>} : memref<8x64xf32, #tpu.memory_space<vmem>>, vector<1x16xf32>,
    %swap3A_268 = vector.shape_cast %swap3A_267 : vector<1x16xf32> to vector<16xf32>
    %swap3A_269 = vector.shape_cast %broadcast_in_dim3A_3 : vector<16xf32> to vector<1x16xf32>
    tpu.vector_store %arg13[%swap3A_265, %swap3A_266], %swap3A_269 {strides = array<i32>} : memref<8x64xf32, #tpu.memory_space<vmem>>, vector<1x16xf32>,
    %swap3A_270 = arith.constant 7 : i32
    %swap3A_271 = arith.index_cast %swap3A_270 : i32 to index
    %swap3A_272 = arith.constant 16 : index
    %swap3A_273 = tpu.vector_load %arg13[%swap3A_271, %swap3A_272] {strides = array<i32>} : memref<8x64xf32, #tpu.memory_space<vmem>>, vector<1x16xf32>,
    %swap3A_274 = vector.shape_cast %swap3A_273 : vector<1x16xf32> to vector<16xf32>
    %swap3A_275 = vector.shape_cast %broadcast_in_dim3A_3 : vector<16xf32> to vector<1x16xf32>
    tpu.vector_store %arg13[%swap3A_271, %swap3A_272], %swap3A_275 {strides = array<i32>} : memref<8x64xf32, #tpu.memory_space<vmem>>, vector<1x16xf32>,
    %swap3A_276 = arith.constant 7 : i32
    %swap3A_277 = arith.index_cast %swap3A_276 : i32 to index
    %swap3A_278 = arith.constant 32 : index
    %swap3A_279 = tpu.vector_load %arg13[%swap3A_277, %swap3A_278] {strides = array<i32>} : memref<8x64xf32, #tpu.memory_space<vmem>>, vector<1x16xf32>,
    %swap3A_280 = vector.shape_cast %swap3A_279 : vector<1x16xf32> to vector<16xf32>
    %swap3A_281 = vector.shape_cast %broadcast_in_dim3A_3 : vector<16xf32> to vector<1x16xf32>
    tpu.vector_store %arg13[%swap3A_277, %swap3A_278], %swap3A_281 {strides = array<i32>} : memref<8x64xf32, #tpu.memory_space<vmem>>, vector<1x16xf32>,
    %swap3A_282 = arith.constant 7 : i32
    %swap3A_283 = arith.index_cast %swap3A_282 : i32 to index
    %swap3A_284 = arith.constant 48 : index
    %swap3A_285 = tpu.vector_load %arg13[%swap3A_283, %swap3A_284] {strides = array<i32>} : memref<8x64xf32, #tpu.memory_space<vmem>>, vector<1x16xf32>,
    %swap3A_286 = vector.shape_cast %swap3A_285 : vector<1x16xf32> to vector<16xf32>
    %swap3A_287 = vector.shape_cast %broadcast_in_dim3A_3 : vector<16xf32> to vector<1x16xf32>
    tpu.vector_store %arg13[%swap3A_283, %swap3A_284], %swap3A_287 {strides = array<i32>} : memref<8x64xf32, #tpu.memory_space<vmem>>, vector<1x16xf32>,
    %swap3A_288 = arith.constant 7 : i32
    %swap3A_289 = arith.index_cast %swap3A_288 : i32 to index
    %swap3A_290 = arith.constant 0 : index
    %swap3A_291 = tpu.vector_load %arg14[%swap3A_289, %swap3A_290] {strides = array<i32>} : memref<8x16xf32, #tpu.memory_space<vmem>>, vector<1x16xf32>,
    %swap3A_292 = vector.shape_cast %swap3A_291 : vector<1x16xf32> to vector<16xf32>
    %swap3A_293 = vector.shape_cast %broadcast_in_dim3A_3 : vector<16xf32> to vector<1x16xf32>
    tpu.vector_store %arg14[%swap3A_289, %swap3A_290], %swap3A_293 {strides = array<i32>} : memref<8x16xf32, #tpu.memory_space<vmem>>, vector<1x16xf32>,
    %mul3A_294 = arith.constant 8 : i32
    %mul3A_295 = arith.muli %arg1, %mul3A_294 : i32
    "tpu.region"() ({
      %run_scoped3A = tpu.sem_alloc : memref<!tpu.dma_semaphore, #tpu.memory_space<semaphore_mem>>
      %dma_start3A_600 = arith.constant 0 : i32
      %dma_start3A_601 = tpu.memref_slice %arg20[%mul3A_295, %dma_start3A_600] : memref<128x64xf32, #tpu.memory_space<vmem_shared>> -> memref<8x64xf32, #tpu.memory_space<vmem_shared>>
      %dma_start3A_602 = arith.constant 0 : i32
      %dma_start3A_603 = tpu.memref_slice %arg20[%mul3A_295, %dma_start3A_602] : memref<128x64xf32, #tpu.memory_space<vmem_shared>> -> memref<8x64xf32, #tpu.memory_space<vmem_shared>>
      tpu.enqueue_dma source(%arg13 : memref<8x64xf32, #tpu.memory_space<vmem>>) target(%dma_start3A_603 : memref<8x64xf32, #tpu.memory_space<vmem_shared>>) target_semaphore(%run_scoped3A : memref<!tpu.dma_semaphore, #tpu.memory_space<semaphore_mem>>)
      %dma_wait3A_604 = arith.constant 0 : i32
      %dma_wait3A_605 = tpu.memref_slice %arg20[%mul3A_295, %dma_wait3A_604] : memref<128x64xf32, #tpu.memory_space<vmem_shared>> -> memref<8x64xf32, #tpu.memory_space<vmem_shared>>
      %dma_wait3A_606 = arith.constant 0 : i32
      %dma_wait3A_607 = tpu.memref_slice %arg20[%mul3A_295, %dma_wait3A_606] : memref<128x64xf32, #tpu.memory_space<vmem_shared>> -> memref<8x64xf32, #tpu.memory_space<vmem_shared>>
      tpu.wait_dma2 semaphore(%run_scoped3A : memref<!tpu.dma_semaphore, #tpu.memory_space<semaphore_mem>>) src(%arg13 : memref<8x64xf32, #tpu.memory_space<vmem>>) dst(%dma_wait3A_607 : memref<8x64xf32, #tpu.memory_space<vmem_shared>>)
      tpu.yield
    }) : () -> ()
    %mul3A_296 = arith.constant 8 : i32
    %mul3A_297 = arith.muli %arg1, %mul3A_296 : i32
    "tpu.region"() ({
      %run_scoped3A = tpu.sem_alloc : memref<!tpu.dma_semaphore, #tpu.memory_space<semaphore_mem>>
      %dma_start3A_600 = arith.constant 0 : i32
      %dma_start3A_601 = tpu.memref_slice %arg21[%mul3A_297, %dma_start3A_600] : memref<128x64xf32, #tpu.memory_space<vmem_shared>> -> memref<8x64xf32, #tpu.memory_space<vmem_shared>>
      %dma_start3A_602 = arith.constant 0 : i32
      %dma_start3A_603 = tpu.memref_slice %arg21[%mul3A_297, %dma_start3A_602] : memref<128x64xf32, #tpu.memory_space<vmem_shared>> -> memref<8x64xf32, #tpu.memory_space<vmem_shared>>
      tpu.enqueue_dma source(%arg13 : memref<8x64xf32, #tpu.memory_space<vmem>>) target(%dma_start3A_603 : memref<8x64xf32, #tpu.memory_space<vmem_shared>>) target_semaphore(%run_scoped3A : memref<!tpu.dma_semaphore, #tpu.memory_space<semaphore_mem>>)
      %dma_wait3A_604 = arith.constant 0 : i32
      %dma_wait3A_605 = tpu.memref_slice %arg21[%mul3A_297, %dma_wait3A_604] : memref<128x64xf32, #tpu.memory_space<vmem_shared>> -> memref<8x64xf32, #tpu.memory_space<vmem_shared>>
      %dma_wait3A_606 = arith.constant 0 : i32
      %dma_wait3A_607 = tpu.memref_slice %arg21[%mul3A_297, %dma_wait3A_606] : memref<128x64xf32, #tpu.memory_space<vmem_shared>> -> memref<8x64xf32, #tpu.memory_space<vmem_shared>>
      tpu.wait_dma2 semaphore(%run_scoped3A : memref<!tpu.dma_semaphore, #tpu.memory_space<semaphore_mem>>) src(%arg13 : memref<8x64xf32, #tpu.memory_space<vmem>>) dst(%dma_wait3A_607 : memref<8x64xf32, #tpu.memory_space<vmem_shared>>)
      tpu.yield
    }) : () -> ()
    %mul3A_298 = arith.constant 8 : i32
    %mul3A_299 = arith.muli %arg1, %mul3A_298 : i32
    "tpu.region"() ({
      %run_scoped3A = tpu.sem_alloc : memref<!tpu.dma_semaphore, #tpu.memory_space<semaphore_mem>>
      %dma_start3A_600 = arith.constant 0 : i32
      %dma_start3A_601 = tpu.memref_slice %arg22[%mul3A_299, %dma_start3A_600] : memref<128x16xf32, #tpu.memory_space<vmem_shared>> -> memref<8x16xf32, #tpu.memory_space<vmem_shared>>
      %dma_start3A_602 = arith.constant 0 : i32
      %dma_start3A_603 = tpu.memref_slice %arg22[%mul3A_299, %dma_start3A_602] : memref<128x16xf32, #tpu.memory_space<vmem_shared>> -> memref<8x16xf32, #tpu.memory_space<vmem_shared>>
      tpu.enqueue_dma source(%arg14 : memref<8x16xf32, #tpu.memory_space<vmem>>) target(%dma_start3A_603 : memref<8x16xf32, #tpu.memory_space<vmem_shared>>) target_semaphore(%run_scoped3A : memref<!tpu.dma_semaphore, #tpu.memory_space<semaphore_mem>>)
      %dma_wait3A_604 = arith.constant 0 : i32
      %dma_wait3A_605 = tpu.memref_slice %arg22[%mul3A_299, %dma_wait3A_604] : memref<128x16xf32, #tpu.memory_space<vmem_shared>> -> memref<8x16xf32, #tpu.memory_space<vmem_shared>>
      %dma_wait3A_606 = arith.constant 0 : i32
      %dma_wait3A_607 = tpu.memref_slice %arg22[%mul3A_299, %dma_wait3A_606] : memref<128x16xf32, #tpu.memory_space<vmem_shared>> -> memref<8x16xf32, #tpu.memory_space<vmem_shared>>
      tpu.wait_dma2 semaphore(%run_scoped3A : memref<!tpu.dma_semaphore, #tpu.memory_space<semaphore_mem>>) src(%arg14 : memref<8x16xf32, #tpu.memory_space<vmem>>) dst(%dma_wait3A_607 : memref<8x16xf32, #tpu.memory_space<vmem_shared>>)
      tpu.yield
    }) : () -> ()
    %scan3A = arith.constant 0 : i32
    %scan3A_300 = arith.constant 0 : i32
    %scan3A_301 = arith.constant 128 : i32
    %scan3A_302 = arith.addi %scan3A_300, %scan3A_301 : i32
    %scan3A_303 = arith.constant 1 : i32
    scf.for %scan3A_600 = %scan3A_300 to %scan3A_302 step %scan3A_303  : i32 {
      %swap3A_601 = arith.index_cast %scan3A_600 : i32 to index
      %swap3A_602 = arith.constant 0 : index
      %swap3A_603 = tpu.vector_load %arg12[%swap3A_601, %swap3A_602] {strides = array<i32>} : memref<128x16xf32, #tpu.memory_space<vmem>>, vector<1x16xf32>,
      %swap3A_604 = vector.shape_cast %swap3A_603 : vector<1x16xf32> to vector<16xf32>
      %swap3A_605 = vector.shape_cast %broadcast_in_dim3A_5 : vector<16xf32> to vector<1x16xf32>
      tpu.vector_store %arg12[%swap3A_601, %swap3A_602], %swap3A_605 {strides = array<i32>} : memref<128x16xf32, #tpu.memory_space<vmem>>, vector<1x16xf32>,
    }
    %scan3A_304 = arith.constant 128 : i32
    %barrier3A = arith.constant 0 : index
    tpu.barrier barrier_id(%barrier3A)
    %dma_wait3A = arith.constant 0 : i32
    %dma_wait3A_305 = arith.constant 0 : i32
    %dma_wait3A_306 = tpu.memref_slice %arg6[%dma_wait3A, %dma_wait3A_305] : memref<4x128xi32, #tpu.memory_space<vmem>> -> memref<2x128xi32, #tpu.memory_space<vmem>>
    %dma_wait3A_307 = arith.constant 0 : i32
    %dma_wait3A_308 = tpu.memref_slice %arg3[%mul3A_30, %dma_wait3A_307] : memref<128x128xi32, #tpu.memory_space<hbm>> -> memref<2x128xi32, #tpu.memory_space<hbm>>
    %dma_wait3A_309 = arith.constant 0 : i32
    %dma_wait3A_310 = arith.constant 0 : i32
    %dma_wait3A_311 = tpu.memref_slice %arg6[%dma_wait3A_309, %dma_wait3A_310] : memref<4x128xi32, #tpu.memory_space<vmem>> -> memref<2x128xi32, #tpu.memory_space<vmem>>
    %dma_wait3A_312 = arith.constant 0 : i32
    %dma_wait3A_313 = tpu.memref_slice %arg3[%mul3A_30, %dma_wait3A_312] : memref<128x128xi32, #tpu.memory_space<hbm>> -> memref<2x128xi32, #tpu.memory_space<hbm>>
    tpu.wait_dma2 semaphore(%arg17 : memref<!tpu.dma_semaphore, #tpu.memory_space<semaphore_mem>>) src(%dma_wait3A_313 : memref<2x128xi32, #tpu.memory_space<hbm>>) dst(%dma_wait3A_311 : memref<2x128xi32, #tpu.memory_space<vmem>>)
    %dma_wait3A_314 = arith.constant 2 : i32
    %dma_wait3A_315 = arith.constant 0 : i32
    %dma_wait3A_316 = tpu.memref_slice %arg6[%dma_wait3A_314, %dma_wait3A_315] : memref<4x128xi32, #tpu.memory_space<vmem>> -> memref<2x128xi32, #tpu.memory_space<vmem>>
    %dma_wait3A_317 = arith.constant 0 : i32
    %dma_wait3A_318 = tpu.memref_slice %arg3[%add3A_44, %dma_wait3A_317] : memref<128x128xi32, #tpu.memory_space<hbm>> -> memref<2x128xi32, #tpu.memory_space<hbm>>
    %dma_wait3A_319 = arith.constant 2 : i32
    %dma_wait3A_320 = arith.constant 0 : i32
    %dma_wait3A_321 = tpu.memref_slice %arg6[%dma_wait3A_319, %dma_wait3A_320] : memref<4x128xi32, #tpu.memory_space<vmem>> -> memref<2x128xi32, #tpu.memory_space<vmem>>
    %dma_wait3A_322 = arith.constant 0 : i32
    %dma_wait3A_323 = tpu.memref_slice %arg3[%add3A_44, %dma_wait3A_322] : memref<128x128xi32, #tpu.memory_space<hbm>> -> memref<2x128xi32, #tpu.memory_space<hbm>>
    tpu.wait_dma2 semaphore(%arg18 : memref<!tpu.dma_semaphore, #tpu.memory_space<semaphore_mem>>) src(%dma_wait3A_323 : memref<2x128xi32, #tpu.memory_space<hbm>>) dst(%dma_wait3A_321 : memref<2x128xi32, #tpu.memory_space<vmem>>)
    %dma_wait3A_324 = arith.constant 0 : i32
    %dma_wait3A_325 = arith.constant 0 : i32
    %dma_wait3A_326 = tpu.memref_slice %arg7[%dma_wait3A_324, %dma_wait3A_325] : memref<256x128xf32, #tpu.memory_space<vmem>> -> memref<128x128xf32, #tpu.memory_space<vmem>>
    %dma_wait3A_327 = arith.constant 0 : i32
    %dma_wait3A_328 = tpu.memref_slice %arg2[%add3A_7, %dma_wait3A_327] : memref<8192x128xf32, #tpu.memory_space<hbm>> -> memref<128x128xf32, #tpu.memory_space<hbm>>
    %dma_wait3A_329 = arith.constant 0 : i32
    %dma_wait3A_330 = arith.constant 0 : i32
    %dma_wait3A_331 = tpu.memref_slice %arg7[%dma_wait3A_329, %dma_wait3A_330] : memref<256x128xf32, #tpu.memory_space<vmem>> -> memref<128x128xf32, #tpu.memory_space<vmem>>
    %dma_wait3A_332 = arith.constant 0 : i32
    %dma_wait3A_333 = tpu.memref_slice %arg2[%add3A_7, %dma_wait3A_332] : memref<8192x128xf32, #tpu.memory_space<hbm>> -> memref<128x128xf32, #tpu.memory_space<hbm>>
    tpu.wait_dma2 semaphore(%arg15 : memref<!tpu.dma_semaphore, #tpu.memory_space<semaphore_mem>>) src(%dma_wait3A_333 : memref<128x128xf32, #tpu.memory_space<hbm>>) dst(%dma_wait3A_331 : memref<128x128xf32, #tpu.memory_space<vmem>>)
    %parallel_loop3A = arith.constant 0 : i32
    %parallel_loop3A_334 = arith.constant 128 : i32
    %parallel_loop3A_335 = arith.constant 1 : i32
    scf.for %parallel_loop3A_600 = %parallel_loop3A to %parallel_loop3A_334 step %parallel_loop3A_335  : i32 {
      %parallel_loop3A_601 = arith.constant 0 : i32
      %parallel_loop3A_602 = arith.addi %parallel_loop3A_601, %parallel_loop3A_600 : i32
      %parallel_loop3A_603 = arith.index_cast %parallel_loop3A_602 : i32 to index
      %parallel_loop3A_604 = arith.constant 0 : index
      %parallel_loop3A_605 = tpu.vector_load %arg7[%parallel_loop3A_603, %parallel_loop3A_604] {strides = array<i32>} : memref<256x128xf32, #tpu.memory_space<vmem>>, vector<1x16xf32>,
      %parallel_loop3A_606 = vector.shape_cast %parallel_loop3A_605 : vector<1x16xf32> to vector<16xf32>
      %parallel_loop3A_607 = arith.constant 0 : i32
      %parallel_loop3A_608 = arith.addi %parallel_loop3A_607, %parallel_loop3A_600 : i32
      %parallel_loop3A_609 = arith.index_cast %parallel_loop3A_608 : i32 to index
      %parallel_loop3A_610 = arith.constant 64 : index
      %parallel_loop3A_611 = tpu.vector_load %arg7[%parallel_loop3A_609, %parallel_loop3A_610] {strides = array<i32>} : memref<256x128xf32, #tpu.memory_space<vmem>>, vector<1x16xf32>,
      %parallel_loop3A_612 = vector.shape_cast %parallel_loop3A_611 : vector<1x16xf32> to vector<16xf32>
      %parallel_loop3A_613 = arith.constant 0 : i32
      %parallel_loop3A_614 = arith.index_cast %parallel_loop3A_613 : i32 to index
      %parallel_loop3A_615 = arith.index_cast %parallel_loop3A_600 : i32 to index
      %parallel_loop3A_616 = arith.constant 0 : index
      %parallel_loop3A_617 = tpu.vector_load %arg8[%parallel_loop3A_614, %parallel_loop3A_615, %parallel_loop3A_616] {strides = array<i32>} : memref<2x128x64xf32, #tpu.memory_space<vmem>>, vector<1x1x16xf32>,
      %parallel_loop3A_618 = vector.shape_cast %parallel_loop3A_617 : vector<1x1x16xf32> to vector<16xf32>
      %parallel_loop3A_619 = vector.shape_cast %parallel_loop3A_606 : vector<16xf32> to vector<1x1x16xf32>
      tpu.vector_store %arg8[%parallel_loop3A_614, %parallel_loop3A_615, %parallel_loop3A_616], %parallel_loop3A_619 {strides = array<i32>} : memref<2x128x64xf32, #tpu.memory_space<vmem>>, vector<1x1x16xf32>,
      %parallel_loop3A_620 = arith.constant 0 : i32
      %parallel_loop3A_621 = arith.index_cast %parallel_loop3A_620 : i32 to index
      %parallel_loop3A_622 = arith.index_cast %parallel_loop3A_600 : i32 to index
      %parallel_loop3A_623 = arith.constant 0 : index
      %parallel_loop3A_624 = tpu.vector_load %arg9[%parallel_loop3A_621, %parallel_loop3A_622, %parallel_loop3A_623] {strides = array<i32>} : memref<2x128x64xf32, #tpu.memory_space<vmem>>, vector<1x1x16xf32>,
      %parallel_loop3A_625 = vector.shape_cast %parallel_loop3A_624 : vector<1x1x16xf32> to vector<16xf32>
      %parallel_loop3A_626 = vector.shape_cast %parallel_loop3A_612 : vector<16xf32> to vector<1x1x16xf32>
      tpu.vector_store %arg9[%parallel_loop3A_621, %parallel_loop3A_622, %parallel_loop3A_623], %parallel_loop3A_626 {strides = array<i32>} : memref<2x128x64xf32, #tpu.memory_space<vmem>>, vector<1x1x16xf32>,
      %parallel_loop3A_627 = arith.mulf %parallel_loop3A_606, %parallel_loop3A_606 : vector<16xf32>
      %parallel_loop3A_628 = arith.constant 0 : i32
      %parallel_loop3A_629 = arith.index_cast %parallel_loop3A_628 : i32 to index
      %parallel_loop3A_630 = arith.index_cast %parallel_loop3A_600 : i32 to index
      %parallel_loop3A_631 = arith.constant 0 : index
      %parallel_loop3A_632 = tpu.vector_load %arg10[%parallel_loop3A_629, %parallel_loop3A_630, %parallel_loop3A_631] {strides = array<i32>} : memref<2x128x64xf32, #tpu.memory_space<vmem>>, vector<1x1x16xf32>,
      %parallel_loop3A_633 = vector.shape_cast %parallel_loop3A_632 : vector<1x1x16xf32> to vector<16xf32>
      %parallel_loop3A_634 = vector.shape_cast %parallel_loop3A_627 : vector<16xf32> to vector<1x1x16xf32>
      tpu.vector_store %arg10[%parallel_loop3A_629, %parallel_loop3A_630, %parallel_loop3A_631], %parallel_loop3A_634 {strides = array<i32>} : memref<2x128x64xf32, #tpu.memory_space<vmem>>, vector<1x1x16xf32>,
      %parallel_loop3A_635 = arith.mulf %parallel_loop3A_612, %parallel_loop3A_612 : vector<16xf32>
      %parallel_loop3A_636 = arith.constant 0 : i32
      %parallel_loop3A_637 = arith.index_cast %parallel_loop3A_636 : i32 to index
      %parallel_loop3A_638 = arith.index_cast %parallel_loop3A_600 : i32 to index
      %parallel_loop3A_639 = arith.constant 0 : index
      %parallel_loop3A_640 = tpu.vector_load %arg11[%parallel_loop3A_637, %parallel_loop3A_638, %parallel_loop3A_639] {strides = array<i32>} : memref<2x128x64xf32, #tpu.memory_space<vmem>>, vector<1x1x16xf32>,
      %parallel_loop3A_641 = vector.shape_cast %parallel_loop3A_640 : vector<1x1x16xf32> to vector<16xf32>
      %parallel_loop3A_642 = vector.shape_cast %parallel_loop3A_635 : vector<16xf32> to vector<1x1x16xf32>
      tpu.vector_store %arg11[%parallel_loop3A_637, %parallel_loop3A_638, %parallel_loop3A_639], %parallel_loop3A_642 {strides = array<i32>} : memref<2x128x64xf32, #tpu.memory_space<vmem>>, vector<1x1x16xf32>,
      %parallel_loop3A_643 = arith.constant 0 : i32
      %parallel_loop3A_644 = arith.addi %parallel_loop3A_643, %parallel_loop3A_600 : i32
      %parallel_loop3A_645 = arith.index_cast %parallel_loop3A_644 : i32 to index
      %parallel_loop3A_646 = arith.constant 16 : index
      %parallel_loop3A_647 = tpu.vector_load %arg7[%parallel_loop3A_645, %parallel_loop3A_646] {strides = array<i32>} : memref<256x128xf32, #tpu.memory_space<vmem>>, vector<1x16xf32>,
      %parallel_loop3A_648 = vector.shape_cast %parallel_loop3A_647 : vector<1x16xf32> to vector<16xf32>
      %parallel_loop3A_649 = arith.constant 0 : i32
      %parallel_loop3A_650 = arith.addi %parallel_loop3A_649, %parallel_loop3A_600 : i32
      %parallel_loop3A_651 = arith.index_cast %parallel_loop3A_650 : i32 to index
      %parallel_loop3A_652 = arith.constant 80 : index
      %parallel_loop3A_653 = tpu.vector_load %arg7[%parallel_loop3A_651, %parallel_loop3A_652] {strides = array<i32>} : memref<256x128xf32, #tpu.memory_space<vmem>>, vector<1x16xf32>,
      %parallel_loop3A_654 = vector.shape_cast %parallel_loop3A_653 : vector<1x16xf32> to vector<16xf32>
      %parallel_loop3A_655 = arith.constant 0 : i32
      %parallel_loop3A_656 = arith.index_cast %parallel_loop3A_655 : i32 to index
      %parallel_loop3A_657 = arith.index_cast %parallel_loop3A_600 : i32 to index
      %parallel_loop3A_658 = arith.constant 16 : index
      %parallel_loop3A_659 = tpu.vector_load %arg8[%parallel_loop3A_656, %parallel_loop3A_657, %parallel_loop3A_658] {strides = array<i32>} : memref<2x128x64xf32, #tpu.memory_space<vmem>>, vector<1x1x16xf32>,
      %parallel_loop3A_660 = vector.shape_cast %parallel_loop3A_659 : vector<1x1x16xf32> to vector<16xf32>
      %parallel_loop3A_661 = vector.shape_cast %parallel_loop3A_648 : vector<16xf32> to vector<1x1x16xf32>
      tpu.vector_store %arg8[%parallel_loop3A_656, %parallel_loop3A_657, %parallel_loop3A_658], %parallel_loop3A_661 {strides = array<i32>} : memref<2x128x64xf32, #tpu.memory_space<vmem>>, vector<1x1x16xf32>,
      %parallel_loop3A_662 = arith.constant 0 : i32
      %parallel_loop3A_663 = arith.index_cast %parallel_loop3A_662 : i32 to index
      %parallel_loop3A_664 = arith.index_cast %parallel_loop3A_600 : i32 to index
      %parallel_loop3A_665 = arith.constant 16 : index
      %parallel_loop3A_666 = tpu.vector_load %arg9[%parallel_loop3A_663, %parallel_loop3A_664, %parallel_loop3A_665] {strides = array<i32>} : memref<2x128x64xf32, #tpu.memory_space<vmem>>, vector<1x1x16xf32>,
      %parallel_loop3A_667 = vector.shape_cast %parallel_loop3A_666 : vector<1x1x16xf32> to vector<16xf32>
      %parallel_loop3A_668 = vector.shape_cast %parallel_loop3A_654 : vector<16xf32> to vector<1x1x16xf32>
      tpu.vector_store %arg9[%parallel_loop3A_663, %parallel_loop3A_664, %parallel_loop3A_665], %parallel_loop3A_668 {strides = array<i32>} : memref<2x128x64xf32, #tpu.memory_space<vmem>>, vector<1x1x16xf32>,
      %parallel_loop3A_669 = arith.mulf %parallel_loop3A_648, %parallel_loop3A_648 : vector<16xf32>
      %parallel_loop3A_670 = arith.constant 0 : i32
      %parallel_loop3A_671 = arith.index_cast %parallel_loop3A_670 : i32 to index
      %parallel_loop3A_672 = arith.index_cast %parallel_loop3A_600 : i32 to index
      %parallel_loop3A_673 = arith.constant 16 : index
      %parallel_loop3A_674 = tpu.vector_load %arg10[%parallel_loop3A_671, %parallel_loop3A_672, %parallel_loop3A_673] {strides = array<i32>} : memref<2x128x64xf32, #tpu.memory_space<vmem>>, vector<1x1x16xf32>,
      %parallel_loop3A_675 = vector.shape_cast %parallel_loop3A_674 : vector<1x1x16xf32> to vector<16xf32>
      %parallel_loop3A_676 = vector.shape_cast %parallel_loop3A_669 : vector<16xf32> to vector<1x1x16xf32>
      tpu.vector_store %arg10[%parallel_loop3A_671, %parallel_loop3A_672, %parallel_loop3A_673], %parallel_loop3A_676 {strides = array<i32>} : memref<2x128x64xf32, #tpu.memory_space<vmem>>, vector<1x1x16xf32>,
      %parallel_loop3A_677 = arith.mulf %parallel_loop3A_654, %parallel_loop3A_654 : vector<16xf32>
      %parallel_loop3A_678 = arith.constant 0 : i32
      %parallel_loop3A_679 = arith.index_cast %parallel_loop3A_678 : i32 to index
      %parallel_loop3A_680 = arith.index_cast %parallel_loop3A_600 : i32 to index
      %parallel_loop3A_681 = arith.constant 16 : index
      %parallel_loop3A_682 = tpu.vector_load %arg11[%parallel_loop3A_679, %parallel_loop3A_680, %parallel_loop3A_681] {strides = array<i32>} : memref<2x128x64xf32, #tpu.memory_space<vmem>>, vector<1x1x16xf32>,
      %parallel_loop3A_683 = vector.shape_cast %parallel_loop3A_682 : vector<1x1x16xf32> to vector<16xf32>
      %parallel_loop3A_684 = vector.shape_cast %parallel_loop3A_677 : vector<16xf32> to vector<1x1x16xf32>
      tpu.vector_store %arg11[%parallel_loop3A_679, %parallel_loop3A_680, %parallel_loop3A_681], %parallel_loop3A_684 {strides = array<i32>} : memref<2x128x64xf32, #tpu.memory_space<vmem>>, vector<1x1x16xf32>,
      %parallel_loop3A_685 = arith.constant 0 : i32
      %parallel_loop3A_686 = arith.addi %parallel_loop3A_685, %parallel_loop3A_600 : i32
      %parallel_loop3A_687 = arith.index_cast %parallel_loop3A_686 : i32 to index
      %parallel_loop3A_688 = arith.constant 32 : index
      %parallel_loop3A_689 = tpu.vector_load %arg7[%parallel_loop3A_687, %parallel_loop3A_688] {strides = array<i32>} : memref<256x128xf32, #tpu.memory_space<vmem>>, vector<1x16xf32>,
      %parallel_loop3A_690 = vector.shape_cast %parallel_loop3A_689 : vector<1x16xf32> to vector<16xf32>
      %parallel_loop3A_691 = arith.constant 0 : i32
      %parallel_loop3A_692 = arith.addi %parallel_loop3A_691, %parallel_loop3A_600 : i32
      %parallel_loop3A_693 = arith.index_cast %parallel_loop3A_692 : i32 to index
      %parallel_loop3A_694 = arith.constant 96 : index
      %parallel_loop3A_695 = tpu.vector_load %arg7[%parallel_loop3A_693, %parallel_loop3A_694] {strides = array<i32>} : memref<256x128xf32, #tpu.memory_space<vmem>>, vector<1x16xf32>,
      %parallel_loop3A_696 = vector.shape_cast %parallel_loop3A_695 : vector<1x16xf32> to vector<16xf32>
      %parallel_loop3A_697 = arith.constant 0 : i32
      %parallel_loop3A_698 = arith.index_cast %parallel_loop3A_697 : i32 to index
      %parallel_loop3A_699 = arith.index_cast %parallel_loop3A_600 : i32 to index
      %parallel_loop3A_700 = arith.constant 32 : index
      %parallel_loop3A_701 = tpu.vector_load %arg8[%parallel_loop3A_698, %parallel_loop3A_699, %parallel_loop3A_700] {strides = array<i32>} : memref<2x128x64xf32, #tpu.memory_space<vmem>>, vector<1x1x16xf32>,
      %parallel_loop3A_702 = vector.shape_cast %parallel_loop3A_701 : vector<1x1x16xf32> to vector<16xf32>
      %parallel_loop3A_703 = vector.shape_cast %parallel_loop3A_690 : vector<16xf32> to vector<1x1x16xf32>
      tpu.vector_store %arg8[%parallel_loop3A_698, %parallel_loop3A_699, %parallel_loop3A_700], %parallel_loop3A_703 {strides = array<i32>} : memref<2x128x64xf32, #tpu.memory_space<vmem>>, vector<1x1x16xf32>,
      %parallel_loop3A_704 = arith.constant 0 : i32
      %parallel_loop3A_705 = arith.index_cast %parallel_loop3A_704 : i32 to index
      %parallel_loop3A_706 = arith.index_cast %parallel_loop3A_600 : i32 to index
      %parallel_loop3A_707 = arith.constant 32 : index
      %parallel_loop3A_708 = tpu.vector_load %arg9[%parallel_loop3A_705, %parallel_loop3A_706, %parallel_loop3A_707] {strides = array<i32>} : memref<2x128x64xf32, #tpu.memory_space<vmem>>, vector<1x1x16xf32>,
      %parallel_loop3A_709 = vector.shape_cast %parallel_loop3A_708 : vector<1x1x16xf32> to vector<16xf32>
      %parallel_loop3A_710 = vector.shape_cast %parallel_loop3A_696 : vector<16xf32> to vector<1x1x16xf32>
      tpu.vector_store %arg9[%parallel_loop3A_705, %parallel_loop3A_706, %parallel_loop3A_707], %parallel_loop3A_710 {strides = array<i32>} : memref<2x128x64xf32, #tpu.memory_space<vmem>>, vector<1x1x16xf32>,
      %parallel_loop3A_711 = arith.mulf %parallel_loop3A_690, %parallel_loop3A_690 : vector<16xf32>
      %parallel_loop3A_712 = arith.constant 0 : i32
      %parallel_loop3A_713 = arith.index_cast %parallel_loop3A_712 : i32 to index
      %parallel_loop3A_714 = arith.index_cast %parallel_loop3A_600 : i32 to index
      %parallel_loop3A_715 = arith.constant 32 : index
      %parallel_loop3A_716 = tpu.vector_load %arg10[%parallel_loop3A_713, %parallel_loop3A_714, %parallel_loop3A_715] {strides = array<i32>} : memref<2x128x64xf32, #tpu.memory_space<vmem>>, vector<1x1x16xf32>,
      %parallel_loop3A_717 = vector.shape_cast %parallel_loop3A_716 : vector<1x1x16xf32> to vector<16xf32>
      %parallel_loop3A_718 = vector.shape_cast %parallel_loop3A_711 : vector<16xf32> to vector<1x1x16xf32>
      tpu.vector_store %arg10[%parallel_loop3A_713, %parallel_loop3A_714, %parallel_loop3A_715], %parallel_loop3A_718 {strides = array<i32>} : memref<2x128x64xf32, #tpu.memory_space<vmem>>, vector<1x1x16xf32>,
      %parallel_loop3A_719 = arith.mulf %parallel_loop3A_696, %parallel_loop3A_696 : vector<16xf32>
      %parallel_loop3A_720 = arith.constant 0 : i32
      %parallel_loop3A_721 = arith.index_cast %parallel_loop3A_720 : i32 to index
      %parallel_loop3A_722 = arith.index_cast %parallel_loop3A_600 : i32 to index
      %parallel_loop3A_723 = arith.constant 32 : index
      %parallel_loop3A_724 = tpu.vector_load %arg11[%parallel_loop3A_721, %parallel_loop3A_722, %parallel_loop3A_723] {strides = array<i32>} : memref<2x128x64xf32, #tpu.memory_space<vmem>>, vector<1x1x16xf32>,
      %parallel_loop3A_725 = vector.shape_cast %parallel_loop3A_724 : vector<1x1x16xf32> to vector<16xf32>
      %parallel_loop3A_726 = vector.shape_cast %parallel_loop3A_719 : vector<16xf32> to vector<1x1x16xf32>
      tpu.vector_store %arg11[%parallel_loop3A_721, %parallel_loop3A_722, %parallel_loop3A_723], %parallel_loop3A_726 {strides = array<i32>} : memref<2x128x64xf32, #tpu.memory_space<vmem>>, vector<1x1x16xf32>,
      %parallel_loop3A_727 = arith.constant 0 : i32
      %parallel_loop3A_728 = arith.addi %parallel_loop3A_727, %parallel_loop3A_600 : i32
      %parallel_loop3A_729 = arith.index_cast %parallel_loop3A_728 : i32 to index
      %parallel_loop3A_730 = arith.constant 48 : index
      %parallel_loop3A_731 = tpu.vector_load %arg7[%parallel_loop3A_729, %parallel_loop3A_730] {strides = array<i32>} : memref<256x128xf32, #tpu.memory_space<vmem>>, vector<1x16xf32>,
      %parallel_loop3A_732 = vector.shape_cast %parallel_loop3A_731 : vector<1x16xf32> to vector<16xf32>
      %parallel_loop3A_733 = arith.constant 0 : i32
      %parallel_loop3A_734 = arith.addi %parallel_loop3A_733, %parallel_loop3A_600 : i32
      %parallel_loop3A_735 = arith.index_cast %parallel_loop3A_734 : i32 to index
      %parallel_loop3A_736 = arith.constant 112 : index
      %parallel_loop3A_737 = tpu.vector_load %arg7[%parallel_loop3A_735, %parallel_loop3A_736] {strides = array<i32>} : memref<256x128xf32, #tpu.memory_space<vmem>>, vector<1x16xf32>,
      %parallel_loop3A_738 = vector.shape_cast %parallel_loop3A_737 : vector<1x16xf32> to vector<16xf32>
      %parallel_loop3A_739 = arith.constant 0 : i32
      %parallel_loop3A_740 = arith.index_cast %parallel_loop3A_739 : i32 to index
      %parallel_loop3A_741 = arith.index_cast %parallel_loop3A_600 : i32 to index
      %parallel_loop3A_742 = arith.constant 48 : index
      %parallel_loop3A_743 = tpu.vector_load %arg8[%parallel_loop3A_740, %parallel_loop3A_741, %parallel_loop3A_742] {strides = array<i32>} : memref<2x128x64xf32, #tpu.memory_space<vmem>>, vector<1x1x16xf32>,
      %parallel_loop3A_744 = vector.shape_cast %parallel_loop3A_743 : vector<1x1x16xf32> to vector<16xf32>
      %parallel_loop3A_745 = vector.shape_cast %parallel_loop3A_732 : vector<16xf32> to vector<1x1x16xf32>
      tpu.vector_store %arg8[%parallel_loop3A_740, %parallel_loop3A_741, %parallel_loop3A_742], %parallel_loop3A_745 {strides = array<i32>} : memref<2x128x64xf32, #tpu.memory_space<vmem>>, vector<1x1x16xf32>,
      %parallel_loop3A_746 = arith.constant 0 : i32
      %parallel_loop3A_747 = arith.index_cast %parallel_loop3A_746 : i32 to index
      %parallel_loop3A_748 = arith.index_cast %parallel_loop3A_600 : i32 to index
      %parallel_loop3A_749 = arith.constant 48 : index
      %parallel_loop3A_750 = tpu.vector_load %arg9[%parallel_loop3A_747, %parallel_loop3A_748, %parallel_loop3A_749] {strides = array<i32>} : memref<2x128x64xf32, #tpu.memory_space<vmem>>, vector<1x1x16xf32>,
      %parallel_loop3A_751 = vector.shape_cast %parallel_loop3A_750 : vector<1x1x16xf32> to vector<16xf32>
      %parallel_loop3A_752 = vector.shape_cast %parallel_loop3A_738 : vector<16xf32> to vector<1x1x16xf32>
      tpu.vector_store %arg9[%parallel_loop3A_747, %parallel_loop3A_748, %parallel_loop3A_749], %parallel_loop3A_752 {strides = array<i32>} : memref<2x128x64xf32, #tpu.memory_space<vmem>>, vector<1x1x16xf32>,
      %parallel_loop3A_753 = arith.mulf %parallel_loop3A_732, %parallel_loop3A_732 : vector<16xf32>
      %parallel_loop3A_754 = arith.constant 0 : i32
      %parallel_loop3A_755 = arith.index_cast %parallel_loop3A_754 : i32 to index
      %parallel_loop3A_756 = arith.index_cast %parallel_loop3A_600 : i32 to index
      %parallel_loop3A_757 = arith.constant 48 : index
      %parallel_loop3A_758 = tpu.vector_load %arg10[%parallel_loop3A_755, %parallel_loop3A_756, %parallel_loop3A_757] {strides = array<i32>} : memref<2x128x64xf32, #tpu.memory_space<vmem>>, vector<1x1x16xf32>,
      %parallel_loop3A_759 = vector.shape_cast %parallel_loop3A_758 : vector<1x1x16xf32> to vector<16xf32>
      %parallel_loop3A_760 = vector.shape_cast %parallel_loop3A_753 : vector<16xf32> to vector<1x1x16xf32>
      tpu.vector_store %arg10[%parallel_loop3A_755, %parallel_loop3A_756, %parallel_loop3A_757], %parallel_loop3A_760 {strides = array<i32>} : memref<2x128x64xf32, #tpu.memory_space<vmem>>, vector<1x1x16xf32>,
      %parallel_loop3A_761 = arith.mulf %parallel_loop3A_738, %parallel_loop3A_738 : vector<16xf32>
      %parallel_loop3A_762 = arith.constant 0 : i32
      %parallel_loop3A_763 = arith.index_cast %parallel_loop3A_762 : i32 to index
      %parallel_loop3A_764 = arith.index_cast %parallel_loop3A_600 : i32 to index
      %parallel_loop3A_765 = arith.constant 48 : index
      %parallel_loop3A_766 = tpu.vector_load %arg11[%parallel_loop3A_763, %parallel_loop3A_764, %parallel_loop3A_765] {strides = array<i32>} : memref<2x128x64xf32, #tpu.memory_space<vmem>>, vector<1x1x16xf32>,
      %parallel_loop3A_767 = vector.shape_cast %parallel_loop3A_766 : vector<1x1x16xf32> to vector<16xf32>
      %parallel_loop3A_768 = vector.shape_cast %parallel_loop3A_761 : vector<16xf32> to vector<1x1x16xf32>
      tpu.vector_store %arg11[%parallel_loop3A_763, %parallel_loop3A_764, %parallel_loop3A_765], %parallel_loop3A_768 {strides = array<i32>} : memref<2x128x64xf32, #tpu.memory_space<vmem>>, vector<1x1x16xf32>,
    } {sc.loop_unroll_factor = 4 : i64, sc.parallel_access}
    %dma_start3A_336 = arith.constant 0 : i32
    %dma_start3A_337 = arith.constant 0 : i32
    %dma_start3A_338 = arith.constant 0 : i32
    %dma_start3A_339 = arith.constant 0 : i32
    %dma_start3A_340 = tpu.memref_slice %arg8[%dma_start3A_336, %dma_start3A_338, %dma_start3A_339] : memref<2x128x64xf32, #tpu.memory_space<vmem>> -> memref<1x128x64xf32, #tpu.memory_space<vmem>>
    %dma_start3A_341 = tpu.memref_squeeze %dma_start3A_340 : memref<1x128x64xf32, #tpu.memory_space<vmem>> -> memref<128x64xf32, #tpu.memory_space<vmem>>
    %dma_start3A_342 = arith.constant 0 : i32
    %dma_start3A_343 = tpu.memref_slice %arg6[%dma_start3A_337, %dma_start3A_342] : memref<4x128xi32, #tpu.memory_space<vmem>> -> memref<1x128xi32, #tpu.memory_space<vmem>>
    %dma_start3A_344 = tpu.memref_squeeze %dma_start3A_343 : memref<1x128xi32, #tpu.memory_space<vmem>> -> memref<128xi32, #tpu.memory_space<vmem>>
    %dma_start3A_345 = arith.constant 0 : i32
    %dma_start3A_346 = arith.constant 0 : i32
    %dma_start3A_347 = tpu.memref_slice %arg20[%dma_start3A_345, %dma_start3A_346] : memref<128x64xf32, #tpu.memory_space<vmem_shared>> -> memref<128x64xf32, #tpu.memory_space<vmem_shared>>
    tpu.enqueue_indirect_dma source(%dma_start3A_341 : memref<128x64xf32, #tpu.memory_space<vmem>>) target(%dma_start3A_347 : memref<128x64xf32, #tpu.memory_space<vmem_shared>>) offsets(%dma_start3A_344 : memref<128xi32, #tpu.memory_space<vmem>>) semaphore(%arg19 : memref<!tpu.dma_semaphore, #tpu.memory_space<semaphore_mem>>) {add = true}
    %dma_start3A_348 = arith.constant 0 : i32
    %dma_start3A_349 = arith.constant 0 : i32
    %dma_start3A_350 = arith.constant 0 : i32
    %dma_start3A_351 = arith.constant 0 : i32
    %dma_start3A_352 = tpu.memref_slice %arg10[%dma_start3A_348, %dma_start3A_350, %dma_start3A_351] : memref<2x128x64xf32, #tpu.memory_space<vmem>> -> memref<1x128x64xf32, #tpu.memory_space<vmem>>
    %dma_start3A_353 = tpu.memref_squeeze %dma_start3A_352 : memref<1x128x64xf32, #tpu.memory_space<vmem>> -> memref<128x64xf32, #tpu.memory_space<vmem>>
    %dma_start3A_354 = arith.constant 0 : i32
    %dma_start3A_355 = tpu.memref_slice %arg6[%dma_start3A_349, %dma_start3A_354] : memref<4x128xi32, #tpu.memory_space<vmem>> -> memref<1x128xi32, #tpu.memory_space<vmem>>
    %dma_start3A_356 = tpu.memref_squeeze %dma_start3A_355 : memref<1x128xi32, #tpu.memory_space<vmem>> -> memref<128xi32, #tpu.memory_space<vmem>>
    %dma_start3A_357 = arith.constant 0 : i32
    %dma_start3A_358 = arith.constant 0 : i32
    %dma_start3A_359 = tpu.memref_slice %arg21[%dma_start3A_357, %dma_start3A_358] : memref<128x64xf32, #tpu.memory_space<vmem_shared>> -> memref<128x64xf32, #tpu.memory_space<vmem_shared>>
    tpu.enqueue_indirect_dma source(%dma_start3A_353 : memref<128x64xf32, #tpu.memory_space<vmem>>) target(%dma_start3A_359 : memref<128x64xf32, #tpu.memory_space<vmem_shared>>) offsets(%dma_start3A_356 : memref<128xi32, #tpu.memory_space<vmem>>) semaphore(%arg19 : memref<!tpu.dma_semaphore, #tpu.memory_space<semaphore_mem>>) {add = true}
    %dma_start3A_360 = arith.constant 0 : i32
    %dma_start3A_361 = arith.constant 0 : i32
    %dma_start3A_362 = tpu.memref_slice %arg6[%dma_start3A_360, %dma_start3A_361] : memref<4x128xi32, #tpu.memory_space<vmem>> -> memref<1x128xi32, #tpu.memory_space<vmem>>
    %dma_start3A_363 = tpu.memref_squeeze %dma_start3A_362 : memref<1x128xi32, #tpu.memory_space<vmem>> -> memref<128xi32, #tpu.memory_space<vmem>>
    %dma_start3A_364 = arith.constant 0 : i32
    %dma_start3A_365 = arith.constant 0 : i32
    %dma_start3A_366 = tpu.memref_slice %arg22[%dma_start3A_364, %dma_start3A_365] : memref<128x16xf32, #tpu.memory_space<vmem_shared>> -> memref<128x16xf32, #tpu.memory_space<vmem_shared>>
    tpu.enqueue_indirect_dma source(%arg12 : memref<128x16xf32, #tpu.memory_space<vmem>>) target(%dma_start3A_366 : memref<128x16xf32, #tpu.memory_space<vmem_shared>>) offsets(%dma_start3A_363 : memref<128xi32, #tpu.memory_space<vmem>>) semaphore(%arg19 : memref<!tpu.dma_semaphore, #tpu.memory_space<semaphore_mem>>) {add = true}
    %dma_start3A_367 = arith.constant 0 : i32
    %dma_start3A_368 = arith.constant 2 : i32
    %dma_start3A_369 = arith.constant 0 : i32
    %dma_start3A_370 = arith.constant 0 : i32
    %dma_start3A_371 = tpu.memref_slice %arg9[%dma_start3A_367, %dma_start3A_369, %dma_start3A_370] : memref<2x128x64xf32, #tpu.memory_space<vmem>> -> memref<1x128x64xf32, #tpu.memory_space<vmem>>
    %dma_start3A_372 = tpu.memref_squeeze %dma_start3A_371 : memref<1x128x64xf32, #tpu.memory_space<vmem>> -> memref<128x64xf32, #tpu.memory_space<vmem>>
    %dma_start3A_373 = arith.constant 0 : i32
    %dma_start3A_374 = tpu.memref_slice %arg6[%dma_start3A_368, %dma_start3A_373] : memref<4x128xi32, #tpu.memory_space<vmem>> -> memref<1x128xi32, #tpu.memory_space<vmem>>
    %dma_start3A_375 = tpu.memref_squeeze %dma_start3A_374 : memref<1x128xi32, #tpu.memory_space<vmem>> -> memref<128xi32, #tpu.memory_space<vmem>>
    %dma_start3A_376 = arith.constant 0 : i32
    %dma_start3A_377 = arith.constant 0 : i32
    %dma_start3A_378 = tpu.memref_slice %arg20[%dma_start3A_376, %dma_start3A_377] : memref<128x64xf32, #tpu.memory_space<vmem_shared>> -> memref<128x64xf32, #tpu.memory_space<vmem_shared>>
    tpu.enqueue_indirect_dma source(%dma_start3A_372 : memref<128x64xf32, #tpu.memory_space<vmem>>) target(%dma_start3A_378 : memref<128x64xf32, #tpu.memory_space<vmem_shared>>) offsets(%dma_start3A_375 : memref<128xi32, #tpu.memory_space<vmem>>) semaphore(%arg19 : memref<!tpu.dma_semaphore, #tpu.memory_space<semaphore_mem>>) {add = true}
    %dma_start3A_379 = arith.constant 0 : i32
    %dma_start3A_380 = arith.constant 2 : i32
    %dma_start3A_381 = arith.constant 0 : i32
    %dma_start3A_382 = arith.constant 0 : i32
    %dma_start3A_383 = tpu.memref_slice %arg11[%dma_start3A_379, %dma_start3A_381, %dma_start3A_382] : memref<2x128x64xf32, #tpu.memory_space<vmem>> -> memref<1x128x64xf32, #tpu.memory_space<vmem>>
    %dma_start3A_384 = tpu.memref_squeeze %dma_start3A_383 : memref<1x128x64xf32, #tpu.memory_space<vmem>> -> memref<128x64xf32, #tpu.memory_space<vmem>>
    %dma_start3A_385 = arith.constant 0 : i32
    %dma_start3A_386 = tpu.memref_slice %arg6[%dma_start3A_380, %dma_start3A_385] : memref<4x128xi32, #tpu.memory_space<vmem>> -> memref<1x128xi32, #tpu.memory_space<vmem>>
    %dma_start3A_387 = tpu.memref_squeeze %dma_start3A_386 : memref<1x128xi32, #tpu.memory_space<vmem>> -> memref<128xi32, #tpu.memory_space<vmem>>
    %dma_start3A_388 = arith.constant 0 : i32
    %dma_start3A_389 = arith.constant 0 : i32
    %dma_start3A_390 = tpu.memref_slice %arg21[%dma_start3A_388, %dma_start3A_389] : memref<128x64xf32, #tpu.memory_space<vmem_shared>> -> memref<128x64xf32, #tpu.memory_space<vmem_shared>>
    tpu.enqueue_indirect_dma source(%dma_start3A_384 : memref<128x64xf32, #tpu.memory_space<vmem>>) target(%dma_start3A_390 : memref<128x64xf32, #tpu.memory_space<vmem_shared>>) offsets(%dma_start3A_387 : memref<128xi32, #tpu.memory_space<vmem>>) semaphore(%arg19 : memref<!tpu.dma_semaphore, #tpu.memory_space<semaphore_mem>>) {add = true}
    %dma_start3A_391 = arith.constant 2 : i32
    %dma_start3A_392 = arith.constant 0 : i32
    %dma_start3A_393 = tpu.memref_slice %arg6[%dma_start3A_391, %dma_start3A_392] : memref<4x128xi32, #tpu.memory_space<vmem>> -> memref<1x128xi32, #tpu.memory_space<vmem>>
    %dma_start3A_394 = tpu.memref_squeeze %dma_start3A_393 : memref<1x128xi32, #tpu.memory_space<vmem>> -> memref<128xi32, #tpu.memory_space<vmem>>
    %dma_start3A_395 = arith.constant 0 : i32
    %dma_start3A_396 = arith.constant 0 : i32
    %dma_start3A_397 = tpu.memref_slice %arg22[%dma_start3A_395, %dma_start3A_396] : memref<128x16xf32, #tpu.memory_space<vmem_shared>> -> memref<128x16xf32, #tpu.memory_space<vmem_shared>>
    tpu.enqueue_indirect_dma source(%arg12 : memref<128x16xf32, #tpu.memory_space<vmem>>) target(%dma_start3A_397 : memref<128x16xf32, #tpu.memory_space<vmem_shared>>) offsets(%dma_start3A_394 : memref<128xi32, #tpu.memory_space<vmem>>) semaphore(%arg19 : memref<!tpu.dma_semaphore, #tpu.memory_space<semaphore_mem>>) {add = true}
    %dma_wait3A_398 = arith.constant 128 : i32
    %dma_wait3A_399 = arith.constant 0 : i32
    %dma_wait3A_400 = tpu.memref_slice %arg7[%dma_wait3A_398, %dma_wait3A_399] : memref<256x128xf32, #tpu.memory_space<vmem>> -> memref<128x128xf32, #tpu.memory_space<vmem>>
    %dma_wait3A_401 = arith.constant 0 : i32
    %dma_wait3A_402 = tpu.memref_slice %arg2[%add3A_18, %dma_wait3A_401] : memref<8192x128xf32, #tpu.memory_space<hbm>> -> memref<128x128xf32, #tpu.memory_space<hbm>>
    %dma_wait3A_403 = arith.constant 128 : i32
    %dma_wait3A_404 = arith.constant 0 : i32
    %dma_wait3A_405 = tpu.memref_slice %arg7[%dma_wait3A_403, %dma_wait3A_404] : memref<256x128xf32, #tpu.memory_space<vmem>> -> memref<128x128xf32, #tpu.memory_space<vmem>>
    %dma_wait3A_406 = arith.constant 0 : i32
    %dma_wait3A_407 = tpu.memref_slice %arg2[%add3A_18, %dma_wait3A_406] : memref<8192x128xf32, #tpu.memory_space<hbm>> -> memref<128x128xf32, #tpu.memory_space<hbm>>
    tpu.wait_dma2 semaphore(%arg16 : memref<!tpu.dma_semaphore, #tpu.memory_space<semaphore_mem>>) src(%dma_wait3A_407 : memref<128x128xf32, #tpu.memory_space<hbm>>) dst(%dma_wait3A_405 : memref<128x128xf32, #tpu.memory_space<vmem>>)
    %parallel_loop3A_408 = arith.constant 0 : i32
    %parallel_loop3A_409 = arith.constant 128 : i32
    %parallel_loop3A_410 = arith.constant 1 : i32
    scf.for %parallel_loop3A_600 = %parallel_loop3A_408 to %parallel_loop3A_409 step %parallel_loop3A_410  : i32 {
      %parallel_loop3A_601 = arith.constant 128 : i32
      %parallel_loop3A_602 = arith.addi %parallel_loop3A_601, %parallel_loop3A_600 : i32
      %parallel_loop3A_603 = arith.index_cast %parallel_loop3A_602 : i32 to index
      %parallel_loop3A_604 = arith.constant 0 : index
      %parallel_loop3A_605 = tpu.vector_load %arg7[%parallel_loop3A_603, %parallel_loop3A_604] {strides = array<i32>} : memref<256x128xf32, #tpu.memory_space<vmem>>, vector<1x16xf32>,
      %parallel_loop3A_606 = vector.shape_cast %parallel_loop3A_605 : vector<1x16xf32> to vector<16xf32>
      %parallel_loop3A_607 = arith.constant 128 : i32
      %parallel_loop3A_608 = arith.addi %parallel_loop3A_607, %parallel_loop3A_600 : i32
      %parallel_loop3A_609 = arith.index_cast %parallel_loop3A_608 : i32 to index
      %parallel_loop3A_610 = arith.constant 64 : index
      %parallel_loop3A_611 = tpu.vector_load %arg7[%parallel_loop3A_609, %parallel_loop3A_610] {strides = array<i32>} : memref<256x128xf32, #tpu.memory_space<vmem>>, vector<1x16xf32>,
      %parallel_loop3A_612 = vector.shape_cast %parallel_loop3A_611 : vector<1x16xf32> to vector<16xf32>
      %parallel_loop3A_613 = arith.constant 1 : i32
      %parallel_loop3A_614 = arith.index_cast %parallel_loop3A_613 : i32 to index
      %parallel_loop3A_615 = arith.index_cast %parallel_loop3A_600 : i32 to index
      %parallel_loop3A_616 = arith.constant 0 : index
      %parallel_loop3A_617 = tpu.vector_load %arg8[%parallel_loop3A_614, %parallel_loop3A_615, %parallel_loop3A_616] {strides = array<i32>} : memref<2x128x64xf32, #tpu.memory_space<vmem>>, vector<1x1x16xf32>,
      %parallel_loop3A_618 = vector.shape_cast %parallel_loop3A_617 : vector<1x1x16xf32> to vector<16xf32>
      %parallel_loop3A_619 = vector.shape_cast %parallel_loop3A_606 : vector<16xf32> to vector<1x1x16xf32>
      tpu.vector_store %arg8[%parallel_loop3A_614, %parallel_loop3A_615, %parallel_loop3A_616], %parallel_loop3A_619 {strides = array<i32>} : memref<2x128x64xf32, #tpu.memory_space<vmem>>, vector<1x1x16xf32>,
      %parallel_loop3A_620 = arith.constant 1 : i32
      %parallel_loop3A_621 = arith.index_cast %parallel_loop3A_620 : i32 to index
      %parallel_loop3A_622 = arith.index_cast %parallel_loop3A_600 : i32 to index
      %parallel_loop3A_623 = arith.constant 0 : index
      %parallel_loop3A_624 = tpu.vector_load %arg9[%parallel_loop3A_621, %parallel_loop3A_622, %parallel_loop3A_623] {strides = array<i32>} : memref<2x128x64xf32, #tpu.memory_space<vmem>>, vector<1x1x16xf32>,
      %parallel_loop3A_625 = vector.shape_cast %parallel_loop3A_624 : vector<1x1x16xf32> to vector<16xf32>
      %parallel_loop3A_626 = vector.shape_cast %parallel_loop3A_612 : vector<16xf32> to vector<1x1x16xf32>
      tpu.vector_store %arg9[%parallel_loop3A_621, %parallel_loop3A_622, %parallel_loop3A_623], %parallel_loop3A_626 {strides = array<i32>} : memref<2x128x64xf32, #tpu.memory_space<vmem>>, vector<1x1x16xf32>,
      %parallel_loop3A_627 = arith.mulf %parallel_loop3A_606, %parallel_loop3A_606 : vector<16xf32>
      %parallel_loop3A_628 = arith.constant 1 : i32
      %parallel_loop3A_629 = arith.index_cast %parallel_loop3A_628 : i32 to index
      %parallel_loop3A_630 = arith.index_cast %parallel_loop3A_600 : i32 to index
      %parallel_loop3A_631 = arith.constant 0 : index
      %parallel_loop3A_632 = tpu.vector_load %arg10[%parallel_loop3A_629, %parallel_loop3A_630, %parallel_loop3A_631] {strides = array<i32>} : memref<2x128x64xf32, #tpu.memory_space<vmem>>, vector<1x1x16xf32>,
      %parallel_loop3A_633 = vector.shape_cast %parallel_loop3A_632 : vector<1x1x16xf32> to vector<16xf32>
      %parallel_loop3A_634 = vector.shape_cast %parallel_loop3A_627 : vector<16xf32> to vector<1x1x16xf32>
      tpu.vector_store %arg10[%parallel_loop3A_629, %parallel_loop3A_630, %parallel_loop3A_631], %parallel_loop3A_634 {strides = array<i32>} : memref<2x128x64xf32, #tpu.memory_space<vmem>>, vector<1x1x16xf32>,
      %parallel_loop3A_635 = arith.mulf %parallel_loop3A_612, %parallel_loop3A_612 : vector<16xf32>
      %parallel_loop3A_636 = arith.constant 1 : i32
      %parallel_loop3A_637 = arith.index_cast %parallel_loop3A_636 : i32 to index
      %parallel_loop3A_638 = arith.index_cast %parallel_loop3A_600 : i32 to index
      %parallel_loop3A_639 = arith.constant 0 : index
      %parallel_loop3A_640 = tpu.vector_load %arg11[%parallel_loop3A_637, %parallel_loop3A_638, %parallel_loop3A_639] {strides = array<i32>} : memref<2x128x64xf32, #tpu.memory_space<vmem>>, vector<1x1x16xf32>,
      %parallel_loop3A_641 = vector.shape_cast %parallel_loop3A_640 : vector<1x1x16xf32> to vector<16xf32>
      %parallel_loop3A_642 = vector.shape_cast %parallel_loop3A_635 : vector<16xf32> to vector<1x1x16xf32>
      tpu.vector_store %arg11[%parallel_loop3A_637, %parallel_loop3A_638, %parallel_loop3A_639], %parallel_loop3A_642 {strides = array<i32>} : memref<2x128x64xf32, #tpu.memory_space<vmem>>, vector<1x1x16xf32>,
      %parallel_loop3A_643 = arith.constant 128 : i32
      %parallel_loop3A_644 = arith.addi %parallel_loop3A_643, %parallel_loop3A_600 : i32
      %parallel_loop3A_645 = arith.index_cast %parallel_loop3A_644 : i32 to index
      %parallel_loop3A_646 = arith.constant 16 : index
      %parallel_loop3A_647 = tpu.vector_load %arg7[%parallel_loop3A_645, %parallel_loop3A_646] {strides = array<i32>} : memref<256x128xf32, #tpu.memory_space<vmem>>, vector<1x16xf32>,
      %parallel_loop3A_648 = vector.shape_cast %parallel_loop3A_647 : vector<1x16xf32> to vector<16xf32>
      %parallel_loop3A_649 = arith.constant 128 : i32
      %parallel_loop3A_650 = arith.addi %parallel_loop3A_649, %parallel_loop3A_600 : i32
      %parallel_loop3A_651 = arith.index_cast %parallel_loop3A_650 : i32 to index
      %parallel_loop3A_652 = arith.constant 80 : index
      %parallel_loop3A_653 = tpu.vector_load %arg7[%parallel_loop3A_651, %parallel_loop3A_652] {strides = array<i32>} : memref<256x128xf32, #tpu.memory_space<vmem>>, vector<1x16xf32>,
      %parallel_loop3A_654 = vector.shape_cast %parallel_loop3A_653 : vector<1x16xf32> to vector<16xf32>
      %parallel_loop3A_655 = arith.constant 1 : i32
      %parallel_loop3A_656 = arith.index_cast %parallel_loop3A_655 : i32 to index
      %parallel_loop3A_657 = arith.index_cast %parallel_loop3A_600 : i32 to index
      %parallel_loop3A_658 = arith.constant 16 : index
      %parallel_loop3A_659 = tpu.vector_load %arg8[%parallel_loop3A_656, %parallel_loop3A_657, %parallel_loop3A_658] {strides = array<i32>} : memref<2x128x64xf32, #tpu.memory_space<vmem>>, vector<1x1x16xf32>,
      %parallel_loop3A_660 = vector.shape_cast %parallel_loop3A_659 : vector<1x1x16xf32> to vector<16xf32>
      %parallel_loop3A_661 = vector.shape_cast %parallel_loop3A_648 : vector<16xf32> to vector<1x1x16xf32>
      tpu.vector_store %arg8[%parallel_loop3A_656, %parallel_loop3A_657, %parallel_loop3A_658], %parallel_loop3A_661 {strides = array<i32>} : memref<2x128x64xf32, #tpu.memory_space<vmem>>, vector<1x1x16xf32>,
      %parallel_loop3A_662 = arith.constant 1 : i32
      %parallel_loop3A_663 = arith.index_cast %parallel_loop3A_662 : i32 to index
      %parallel_loop3A_664 = arith.index_cast %parallel_loop3A_600 : i32 to index
      %parallel_loop3A_665 = arith.constant 16 : index
      %parallel_loop3A_666 = tpu.vector_load %arg9[%parallel_loop3A_663, %parallel_loop3A_664, %parallel_loop3A_665] {strides = array<i32>} : memref<2x128x64xf32, #tpu.memory_space<vmem>>, vector<1x1x16xf32>,
      %parallel_loop3A_667 = vector.shape_cast %parallel_loop3A_666 : vector<1x1x16xf32> to vector<16xf32>
      %parallel_loop3A_668 = vector.shape_cast %parallel_loop3A_654 : vector<16xf32> to vector<1x1x16xf32>
      tpu.vector_store %arg9[%parallel_loop3A_663, %parallel_loop3A_664, %parallel_loop3A_665], %parallel_loop3A_668 {strides = array<i32>} : memref<2x128x64xf32, #tpu.memory_space<vmem>>, vector<1x1x16xf32>,
      %parallel_loop3A_669 = arith.mulf %parallel_loop3A_648, %parallel_loop3A_648 : vector<16xf32>
      %parallel_loop3A_670 = arith.constant 1 : i32
      %parallel_loop3A_671 = arith.index_cast %parallel_loop3A_670 : i32 to index
      %parallel_loop3A_672 = arith.index_cast %parallel_loop3A_600 : i32 to index
      %parallel_loop3A_673 = arith.constant 16 : index
      %parallel_loop3A_674 = tpu.vector_load %arg10[%parallel_loop3A_671, %parallel_loop3A_672, %parallel_loop3A_673] {strides = array<i32>} : memref<2x128x64xf32, #tpu.memory_space<vmem>>, vector<1x1x16xf32>,
      %parallel_loop3A_675 = vector.shape_cast %parallel_loop3A_674 : vector<1x1x16xf32> to vector<16xf32>
      %parallel_loop3A_676 = vector.shape_cast %parallel_loop3A_669 : vector<16xf32> to vector<1x1x16xf32>
      tpu.vector_store %arg10[%parallel_loop3A_671, %parallel_loop3A_672, %parallel_loop3A_673], %parallel_loop3A_676 {strides = array<i32>} : memref<2x128x64xf32, #tpu.memory_space<vmem>>, vector<1x1x16xf32>,
      %parallel_loop3A_677 = arith.mulf %parallel_loop3A_654, %parallel_loop3A_654 : vector<16xf32>
      %parallel_loop3A_678 = arith.constant 1 : i32
      %parallel_loop3A_679 = arith.index_cast %parallel_loop3A_678 : i32 to index
      %parallel_loop3A_680 = arith.index_cast %parallel_loop3A_600 : i32 to index
      %parallel_loop3A_681 = arith.constant 16 : index
      %parallel_loop3A_682 = tpu.vector_load %arg11[%parallel_loop3A_679, %parallel_loop3A_680, %parallel_loop3A_681] {strides = array<i32>} : memref<2x128x64xf32, #tpu.memory_space<vmem>>, vector<1x1x16xf32>,
      %parallel_loop3A_683 = vector.shape_cast %parallel_loop3A_682 : vector<1x1x16xf32> to vector<16xf32>
      %parallel_loop3A_684 = vector.shape_cast %parallel_loop3A_677 : vector<16xf32> to vector<1x1x16xf32>
      tpu.vector_store %arg11[%parallel_loop3A_679, %parallel_loop3A_680, %parallel_loop3A_681], %parallel_loop3A_684 {strides = array<i32>} : memref<2x128x64xf32, #tpu.memory_space<vmem>>, vector<1x1x16xf32>,
      %parallel_loop3A_685 = arith.constant 128 : i32
      %parallel_loop3A_686 = arith.addi %parallel_loop3A_685, %parallel_loop3A_600 : i32
      %parallel_loop3A_687 = arith.index_cast %parallel_loop3A_686 : i32 to index
      %parallel_loop3A_688 = arith.constant 32 : index
      %parallel_loop3A_689 = tpu.vector_load %arg7[%parallel_loop3A_687, %parallel_loop3A_688] {strides = array<i32>} : memref<256x128xf32, #tpu.memory_space<vmem>>, vector<1x16xf32>,
      %parallel_loop3A_690 = vector.shape_cast %parallel_loop3A_689 : vector<1x16xf32> to vector<16xf32>
      %parallel_loop3A_691 = arith.constant 128 : i32
      %parallel_loop3A_692 = arith.addi %parallel_loop3A_691, %parallel_loop3A_600 : i32
      %parallel_loop3A_693 = arith.index_cast %parallel_loop3A_692 : i32 to index
      %parallel_loop3A_694 = arith.constant 96 : index
      %parallel_loop3A_695 = tpu.vector_load %arg7[%parallel_loop3A_693, %parallel_loop3A_694] {strides = array<i32>} : memref<256x128xf32, #tpu.memory_space<vmem>>, vector<1x16xf32>,
      %parallel_loop3A_696 = vector.shape_cast %parallel_loop3A_695 : vector<1x16xf32> to vector<16xf32>
      %parallel_loop3A_697 = arith.constant 1 : i32
      %parallel_loop3A_698 = arith.index_cast %parallel_loop3A_697 : i32 to index
      %parallel_loop3A_699 = arith.index_cast %parallel_loop3A_600 : i32 to index
      %parallel_loop3A_700 = arith.constant 32 : index
      %parallel_loop3A_701 = tpu.vector_load %arg8[%parallel_loop3A_698, %parallel_loop3A_699, %parallel_loop3A_700] {strides = array<i32>} : memref<2x128x64xf32, #tpu.memory_space<vmem>>, vector<1x1x16xf32>,
      %parallel_loop3A_702 = vector.shape_cast %parallel_loop3A_701 : vector<1x1x16xf32> to vector<16xf32>
      %parallel_loop3A_703 = vector.shape_cast %parallel_loop3A_690 : vector<16xf32> to vector<1x1x16xf32>
      tpu.vector_store %arg8[%parallel_loop3A_698, %parallel_loop3A_699, %parallel_loop3A_700], %parallel_loop3A_703 {strides = array<i32>} : memref<2x128x64xf32, #tpu.memory_space<vmem>>, vector<1x1x16xf32>,
      %parallel_loop3A_704 = arith.constant 1 : i32
      %parallel_loop3A_705 = arith.index_cast %parallel_loop3A_704 : i32 to index
      %parallel_loop3A_706 = arith.index_cast %parallel_loop3A_600 : i32 to index
      %parallel_loop3A_707 = arith.constant 32 : index
      %parallel_loop3A_708 = tpu.vector_load %arg9[%parallel_loop3A_705, %parallel_loop3A_706, %parallel_loop3A_707] {strides = array<i32>} : memref<2x128x64xf32, #tpu.memory_space<vmem>>, vector<1x1x16xf32>,
      %parallel_loop3A_709 = vector.shape_cast %parallel_loop3A_708 : vector<1x1x16xf32> to vector<16xf32>
      %parallel_loop3A_710 = vector.shape_cast %parallel_loop3A_696 : vector<16xf32> to vector<1x1x16xf32>
      tpu.vector_store %arg9[%parallel_loop3A_705, %parallel_loop3A_706, %parallel_loop3A_707], %parallel_loop3A_710 {strides = array<i32>} : memref<2x128x64xf32, #tpu.memory_space<vmem>>, vector<1x1x16xf32>,
      %parallel_loop3A_711 = arith.mulf %parallel_loop3A_690, %parallel_loop3A_690 : vector<16xf32>
      %parallel_loop3A_712 = arith.constant 1 : i32
      %parallel_loop3A_713 = arith.index_cast %parallel_loop3A_712 : i32 to index
      %parallel_loop3A_714 = arith.index_cast %parallel_loop3A_600 : i32 to index
      %parallel_loop3A_715 = arith.constant 32 : index
      %parallel_loop3A_716 = tpu.vector_load %arg10[%parallel_loop3A_713, %parallel_loop3A_714, %parallel_loop3A_715] {strides = array<i32>} : memref<2x128x64xf32, #tpu.memory_space<vmem>>, vector<1x1x16xf32>,
      %parallel_loop3A_717 = vector.shape_cast %parallel_loop3A_716 : vector<1x1x16xf32> to vector<16xf32>
      %parallel_loop3A_718 = vector.shape_cast %parallel_loop3A_711 : vector<16xf32> to vector<1x1x16xf32>
      tpu.vector_store %arg10[%parallel_loop3A_713, %parallel_loop3A_714, %parallel_loop3A_715], %parallel_loop3A_718 {strides = array<i32>} : memref<2x128x64xf32, #tpu.memory_space<vmem>>, vector<1x1x16xf32>,
      %parallel_loop3A_719 = arith.mulf %parallel_loop3A_696, %parallel_loop3A_696 : vector<16xf32>
      %parallel_loop3A_720 = arith.constant 1 : i32
      %parallel_loop3A_721 = arith.index_cast %parallel_loop3A_720 : i32 to index
      %parallel_loop3A_722 = arith.index_cast %parallel_loop3A_600 : i32 to index
      %parallel_loop3A_723 = arith.constant 32 : index
      %parallel_loop3A_724 = tpu.vector_load %arg11[%parallel_loop3A_721, %parallel_loop3A_722, %parallel_loop3A_723] {strides = array<i32>} : memref<2x128x64xf32, #tpu.memory_space<vmem>>, vector<1x1x16xf32>,
      %parallel_loop3A_725 = vector.shape_cast %parallel_loop3A_724 : vector<1x1x16xf32> to vector<16xf32>
      %parallel_loop3A_726 = vector.shape_cast %parallel_loop3A_719 : vector<16xf32> to vector<1x1x16xf32>
      tpu.vector_store %arg11[%parallel_loop3A_721, %parallel_loop3A_722, %parallel_loop3A_723], %parallel_loop3A_726 {strides = array<i32>} : memref<2x128x64xf32, #tpu.memory_space<vmem>>, vector<1x1x16xf32>,
      %parallel_loop3A_727 = arith.constant 128 : i32
      %parallel_loop3A_728 = arith.addi %parallel_loop3A_727, %parallel_loop3A_600 : i32
      %parallel_loop3A_729 = arith.index_cast %parallel_loop3A_728 : i32 to index
      %parallel_loop3A_730 = arith.constant 48 : index
      %parallel_loop3A_731 = tpu.vector_load %arg7[%parallel_loop3A_729, %parallel_loop3A_730] {strides = array<i32>} : memref<256x128xf32, #tpu.memory_space<vmem>>, vector<1x16xf32>,
      %parallel_loop3A_732 = vector.shape_cast %parallel_loop3A_731 : vector<1x16xf32> to vector<16xf32>
      %parallel_loop3A_733 = arith.constant 128 : i32
      %parallel_loop3A_734 = arith.addi %parallel_loop3A_733, %parallel_loop3A_600 : i32
      %parallel_loop3A_735 = arith.index_cast %parallel_loop3A_734 : i32 to index
      %parallel_loop3A_736 = arith.constant 112 : index
      %parallel_loop3A_737 = tpu.vector_load %arg7[%parallel_loop3A_735, %parallel_loop3A_736] {strides = array<i32>} : memref<256x128xf32, #tpu.memory_space<vmem>>, vector<1x16xf32>,
      %parallel_loop3A_738 = vector.shape_cast %parallel_loop3A_737 : vector<1x16xf32> to vector<16xf32>
      %parallel_loop3A_739 = arith.constant 1 : i32
      %parallel_loop3A_740 = arith.index_cast %parallel_loop3A_739 : i32 to index
      %parallel_loop3A_741 = arith.index_cast %parallel_loop3A_600 : i32 to index
      %parallel_loop3A_742 = arith.constant 48 : index
      %parallel_loop3A_743 = tpu.vector_load %arg8[%parallel_loop3A_740, %parallel_loop3A_741, %parallel_loop3A_742] {strides = array<i32>} : memref<2x128x64xf32, #tpu.memory_space<vmem>>, vector<1x1x16xf32>,
      %parallel_loop3A_744 = vector.shape_cast %parallel_loop3A_743 : vector<1x1x16xf32> to vector<16xf32>
      %parallel_loop3A_745 = vector.shape_cast %parallel_loop3A_732 : vector<16xf32> to vector<1x1x16xf32>
      tpu.vector_store %arg8[%parallel_loop3A_740, %parallel_loop3A_741, %parallel_loop3A_742], %parallel_loop3A_745 {strides = array<i32>} : memref<2x128x64xf32, #tpu.memory_space<vmem>>, vector<1x1x16xf32>,
      %parallel_loop3A_746 = arith.constant 1 : i32
      %parallel_loop3A_747 = arith.index_cast %parallel_loop3A_746 : i32 to index
      %parallel_loop3A_748 = arith.index_cast %parallel_loop3A_600 : i32 to index
      %parallel_loop3A_749 = arith.constant 48 : index
      %parallel_loop3A_750 = tpu.vector_load %arg9[%parallel_loop3A_747, %parallel_loop3A_748, %parallel_loop3A_749] {strides = array<i32>} : memref<2x128x64xf32, #tpu.memory_space<vmem>>, vector<1x1x16xf32>,
      %parallel_loop3A_751 = vector.shape_cast %parallel_loop3A_750 : vector<1x1x16xf32> to vector<16xf32>
      %parallel_loop3A_752 = vector.shape_cast %parallel_loop3A_738 : vector<16xf32> to vector<1x1x16xf32>
      tpu.vector_store %arg9[%parallel_loop3A_747, %parallel_loop3A_748, %parallel_loop3A_749], %parallel_loop3A_752 {strides = array<i32>} : memref<2x128x64xf32, #tpu.memory_space<vmem>>, vector<1x1x16xf32>,
      %parallel_loop3A_753 = arith.mulf %parallel_loop3A_732, %parallel_loop3A_732 : vector<16xf32>
      %parallel_loop3A_754 = arith.constant 1 : i32
      %parallel_loop3A_755 = arith.index_cast %parallel_loop3A_754 : i32 to index
      %parallel_loop3A_756 = arith.index_cast %parallel_loop3A_600 : i32 to index
      %parallel_loop3A_757 = arith.constant 48 : index
      %parallel_loop3A_758 = tpu.vector_load %arg10[%parallel_loop3A_755, %parallel_loop3A_756, %parallel_loop3A_757] {strides = array<i32>} : memref<2x128x64xf32, #tpu.memory_space<vmem>>, vector<1x1x16xf32>,
      %parallel_loop3A_759 = vector.shape_cast %parallel_loop3A_758 : vector<1x1x16xf32> to vector<16xf32>
      %parallel_loop3A_760 = vector.shape_cast %parallel_loop3A_753 : vector<16xf32> to vector<1x1x16xf32>
      tpu.vector_store %arg10[%parallel_loop3A_755, %parallel_loop3A_756, %parallel_loop3A_757], %parallel_loop3A_760 {strides = array<i32>} : memref<2x128x64xf32, #tpu.memory_space<vmem>>, vector<1x1x16xf32>,
      %parallel_loop3A_761 = arith.mulf %parallel_loop3A_738, %parallel_loop3A_738 : vector<16xf32>
      %parallel_loop3A_762 = arith.constant 1 : i32
      %parallel_loop3A_763 = arith.index_cast %parallel_loop3A_762 : i32 to index
      %parallel_loop3A_764 = arith.index_cast %parallel_loop3A_600 : i32 to index
      %parallel_loop3A_765 = arith.constant 48 : index
      %parallel_loop3A_766 = tpu.vector_load %arg11[%parallel_loop3A_763, %parallel_loop3A_764, %parallel_loop3A_765] {strides = array<i32>} : memref<2x128x64xf32, #tpu.memory_space<vmem>>, vector<1x1x16xf32>,
      %parallel_loop3A_767 = vector.shape_cast %parallel_loop3A_766 : vector<1x1x16xf32> to vector<16xf32>
      %parallel_loop3A_768 = vector.shape_cast %parallel_loop3A_761 : vector<16xf32> to vector<1x1x16xf32>
      tpu.vector_store %arg11[%parallel_loop3A_763, %parallel_loop3A_764, %parallel_loop3A_765], %parallel_loop3A_768 {strides = array<i32>} : memref<2x128x64xf32, #tpu.memory_space<vmem>>, vector<1x1x16xf32>,
    } {sc.loop_unroll_factor = 4 : i64, sc.parallel_access}
    %dma_start3A_411 = arith.constant 1 : i32
    %dma_start3A_412 = arith.constant 1 : i32
    %dma_start3A_413 = arith.constant 0 : i32
    %dma_start3A_414 = arith.constant 0 : i32
    %dma_start3A_415 = tpu.memref_slice %arg8[%dma_start3A_411, %dma_start3A_413, %dma_start3A_414] : memref<2x128x64xf32, #tpu.memory_space<vmem>> -> memref<1x128x64xf32, #tpu.memory_space<vmem>>
    %dma_start3A_416 = tpu.memref_squeeze %dma_start3A_415 : memref<1x128x64xf32, #tpu.memory_space<vmem>> -> memref<128x64xf32, #tpu.memory_space<vmem>>
    %dma_start3A_417 = arith.constant 0 : i32
    %dma_start3A_418 = tpu.memref_slice %arg6[%dma_start3A_412, %dma_start3A_417] : memref<4x128xi32, #tpu.memory_space<vmem>> -> memref<1x128xi32, #tpu.memory_space<vmem>>
    %dma_start3A_419 = tpu.memref_squeeze %dma_start3A_418 : memref<1x128xi32, #tpu.memory_space<vmem>> -> memref<128xi32, #tpu.memory_space<vmem>>
    %dma_start3A_420 = arith.constant 0 : i32
    %dma_start3A_421 = arith.constant 0 : i32
    %dma_start3A_422 = tpu.memref_slice %arg20[%dma_start3A_420, %dma_start3A_421] : memref<128x64xf32, #tpu.memory_space<vmem_shared>> -> memref<128x64xf32, #tpu.memory_space<vmem_shared>>
    tpu.enqueue_indirect_dma source(%dma_start3A_416 : memref<128x64xf32, #tpu.memory_space<vmem>>) target(%dma_start3A_422 : memref<128x64xf32, #tpu.memory_space<vmem_shared>>) offsets(%dma_start3A_419 : memref<128xi32, #tpu.memory_space<vmem>>) semaphore(%arg19 : memref<!tpu.dma_semaphore, #tpu.memory_space<semaphore_mem>>) {add = true}
    %dma_start3A_423 = arith.constant 1 : i32
    %dma_start3A_424 = arith.constant 1 : i32
    %dma_start3A_425 = arith.constant 0 : i32
    %dma_start3A_426 = arith.constant 0 : i32
    %dma_start3A_427 = tpu.memref_slice %arg10[%dma_start3A_423, %dma_start3A_425, %dma_start3A_426] : memref<2x128x64xf32, #tpu.memory_space<vmem>> -> memref<1x128x64xf32, #tpu.memory_space<vmem>>
    %dma_start3A_428 = tpu.memref_squeeze %dma_start3A_427 : memref<1x128x64xf32, #tpu.memory_space<vmem>> -> memref<128x64xf32, #tpu.memory_space<vmem>>
    %dma_start3A_429 = arith.constant 0 : i32
    %dma_start3A_430 = tpu.memref_slice %arg6[%dma_start3A_424, %dma_start3A_429] : memref<4x128xi32, #tpu.memory_space<vmem>> -> memref<1x128xi32, #tpu.memory_space<vmem>>
    %dma_start3A_431 = tpu.memref_squeeze %dma_start3A_430 : memref<1x128xi32, #tpu.memory_space<vmem>> -> memref<128xi32, #tpu.memory_space<vmem>>
    %dma_start3A_432 = arith.constant 0 : i32
    %dma_start3A_433 = arith.constant 0 : i32
    %dma_start3A_434 = tpu.memref_slice %arg21[%dma_start3A_432, %dma_start3A_433] : memref<128x64xf32, #tpu.memory_space<vmem_shared>> -> memref<128x64xf32, #tpu.memory_space<vmem_shared>>
    tpu.enqueue_indirect_dma source(%dma_start3A_428 : memref<128x64xf32, #tpu.memory_space<vmem>>) target(%dma_start3A_434 : memref<128x64xf32, #tpu.memory_space<vmem_shared>>) offsets(%dma_start3A_431 : memref<128xi32, #tpu.memory_space<vmem>>) semaphore(%arg19 : memref<!tpu.dma_semaphore, #tpu.memory_space<semaphore_mem>>) {add = true}
    %dma_start3A_435 = arith.constant 1 : i32
    %dma_start3A_436 = arith.constant 0 : i32
    %dma_start3A_437 = tpu.memref_slice %arg6[%dma_start3A_435, %dma_start3A_436] : memref<4x128xi32, #tpu.memory_space<vmem>> -> memref<1x128xi32, #tpu.memory_space<vmem>>
    %dma_start3A_438 = tpu.memref_squeeze %dma_start3A_437 : memref<1x128xi32, #tpu.memory_space<vmem>> -> memref<128xi32, #tpu.memory_space<vmem>>
    %dma_start3A_439 = arith.constant 0 : i32
    %dma_start3A_440 = arith.constant 0 : i32
    %dma_start3A_441 = tpu.memref_slice %arg22[%dma_start3A_439, %dma_start3A_440] : memref<128x16xf32, #tpu.memory_space<vmem_shared>> -> memref<128x16xf32, #tpu.memory_space<vmem_shared>>
    tpu.enqueue_indirect_dma source(%arg12 : memref<128x16xf32, #tpu.memory_space<vmem>>) target(%dma_start3A_441 : memref<128x16xf32, #tpu.memory_space<vmem_shared>>) offsets(%dma_start3A_438 : memref<128xi32, #tpu.memory_space<vmem>>) semaphore(%arg19 : memref<!tpu.dma_semaphore, #tpu.memory_space<semaphore_mem>>) {add = true}
    %dma_start3A_442 = arith.constant 1 : i32
    %dma_start3A_443 = arith.constant 3 : i32
    %dma_start3A_444 = arith.constant 0 : i32
    %dma_start3A_445 = arith.constant 0 : i32
    %dma_start3A_446 = tpu.memref_slice %arg9[%dma_start3A_442, %dma_start3A_444, %dma_start3A_445] : memref<2x128x64xf32, #tpu.memory_space<vmem>> -> memref<1x128x64xf32, #tpu.memory_space<vmem>>
    %dma_start3A_447 = tpu.memref_squeeze %dma_start3A_446 : memref<1x128x64xf32, #tpu.memory_space<vmem>> -> memref<128x64xf32, #tpu.memory_space<vmem>>
    %dma_start3A_448 = arith.constant 0 : i32
    %dma_start3A_449 = tpu.memref_slice %arg6[%dma_start3A_443, %dma_start3A_448] : memref<4x128xi32, #tpu.memory_space<vmem>> -> memref<1x128xi32, #tpu.memory_space<vmem>>
    %dma_start3A_450 = tpu.memref_squeeze %dma_start3A_449 : memref<1x128xi32, #tpu.memory_space<vmem>> -> memref<128xi32, #tpu.memory_space<vmem>>
    %dma_start3A_451 = arith.constant 0 : i32
    %dma_start3A_452 = arith.constant 0 : i32
    %dma_start3A_453 = tpu.memref_slice %arg20[%dma_start3A_451, %dma_start3A_452] : memref<128x64xf32, #tpu.memory_space<vmem_shared>> -> memref<128x64xf32, #tpu.memory_space<vmem_shared>>
    tpu.enqueue_indirect_dma source(%dma_start3A_447 : memref<128x64xf32, #tpu.memory_space<vmem>>) target(%dma_start3A_453 : memref<128x64xf32, #tpu.memory_space<vmem_shared>>) offsets(%dma_start3A_450 : memref<128xi32, #tpu.memory_space<vmem>>) semaphore(%arg19 : memref<!tpu.dma_semaphore, #tpu.memory_space<semaphore_mem>>) {add = true}
    %dma_start3A_454 = arith.constant 1 : i32
    %dma_start3A_455 = arith.constant 3 : i32
    %dma_start3A_456 = arith.constant 0 : i32
    %dma_start3A_457 = arith.constant 0 : i32
    %dma_start3A_458 = tpu.memref_slice %arg11[%dma_start3A_454, %dma_start3A_456, %dma_start3A_457] : memref<2x128x64xf32, #tpu.memory_space<vmem>> -> memref<1x128x64xf32, #tpu.memory_space<vmem>>
    %dma_start3A_459 = tpu.memref_squeeze %dma_start3A_458 : memref<1x128x64xf32, #tpu.memory_space<vmem>> -> memref<128x64xf32, #tpu.memory_space<vmem>>
    %dma_start3A_460 = arith.constant 0 : i32
    %dma_start3A_461 = tpu.memref_slice %arg6[%dma_start3A_455, %dma_start3A_460] : memref<4x128xi32, #tpu.memory_space<vmem>> -> memref<1x128xi32, #tpu.memory_space<vmem>>
    %dma_start3A_462 = tpu.memref_squeeze %dma_start3A_461 : memref<1x128xi32, #tpu.memory_space<vmem>> -> memref<128xi32, #tpu.memory_space<vmem>>
    %dma_start3A_463 = arith.constant 0 : i32
    %dma_start3A_464 = arith.constant 0 : i32
    %dma_start3A_465 = tpu.memref_slice %arg21[%dma_start3A_463, %dma_start3A_464] : memref<128x64xf32, #tpu.memory_space<vmem_shared>> -> memref<128x64xf32, #tpu.memory_space<vmem_shared>>
    tpu.enqueue_indirect_dma source(%dma_start3A_459 : memref<128x64xf32, #tpu.memory_space<vmem>>) target(%dma_start3A_465 : memref<128x64xf32, #tpu.memory_space<vmem_shared>>) offsets(%dma_start3A_462 : memref<128xi32, #tpu.memory_space<vmem>>) semaphore(%arg19 : memref<!tpu.dma_semaphore, #tpu.memory_space<semaphore_mem>>) {add = true}
    %dma_start3A_466 = arith.constant 3 : i32
    %dma_start3A_467 = arith.constant 0 : i32
    %dma_start3A_468 = tpu.memref_slice %arg6[%dma_start3A_466, %dma_start3A_467] : memref<4x128xi32, #tpu.memory_space<vmem>> -> memref<1x128xi32, #tpu.memory_space<vmem>>
    %dma_start3A_469 = tpu.memref_squeeze %dma_start3A_468 : memref<1x128xi32, #tpu.memory_space<vmem>> -> memref<128xi32, #tpu.memory_space<vmem>>
    %dma_start3A_470 = arith.constant 0 : i32
    %dma_start3A_471 = arith.constant 0 : i32
    %dma_start3A_472 = tpu.memref_slice %arg22[%dma_start3A_470, %dma_start3A_471] : memref<128x16xf32, #tpu.memory_space<vmem_shared>> -> memref<128x16xf32, #tpu.memory_space<vmem_shared>>
    tpu.enqueue_indirect_dma source(%arg12 : memref<128x16xf32, #tpu.memory_space<vmem>>) target(%dma_start3A_472 : memref<128x16xf32, #tpu.memory_space<vmem_shared>>) offsets(%dma_start3A_469 : memref<128xi32, #tpu.memory_space<vmem>>) semaphore(%arg19 : memref<!tpu.dma_semaphore, #tpu.memory_space<semaphore_mem>>) {add = true}
    %dma_wait3A_473 = arith.constant 0 : i32
    %dma_wait3A_474 = arith.constant 0 : i32
    %dma_wait3A_475 = arith.constant 0 : i32
    %dma_wait3A_476 = arith.constant 0 : i32
    %dma_wait3A_477 = tpu.memref_slice %arg8[%dma_wait3A_473, %dma_wait3A_475, %dma_wait3A_476] : memref<2x128x64xf32, #tpu.memory_space<vmem>> -> memref<1x128x64xf32, #tpu.memory_space<vmem>>
    %dma_wait3A_478 = tpu.memref_squeeze %dma_wait3A_477 : memref<1x128x64xf32, #tpu.memory_space<vmem>> -> memref<128x64xf32, #tpu.memory_space<vmem>>
    %dma_wait3A_479 = arith.constant 0 : i32
    %dma_wait3A_480 = tpu.memref_slice %arg6[%dma_wait3A_474, %dma_wait3A_479] : memref<4x128xi32, #tpu.memory_space<vmem>> -> memref<1x128xi32, #tpu.memory_space<vmem>>
    %dma_wait3A_481 = tpu.memref_squeeze %dma_wait3A_480 : memref<1x128xi32, #tpu.memory_space<vmem>> -> memref<128xi32, #tpu.memory_space<vmem>>
    %dma_wait3A_482 = arith.constant 0 : i32
    %dma_wait3A_483 = arith.constant 0 : i32
    %dma_wait3A_484 = tpu.memref_slice %arg20[%dma_wait3A_482, %dma_wait3A_483] : memref<128x64xf32, #tpu.memory_space<vmem_shared>> -> memref<128x64xf32, #tpu.memory_space<vmem_shared>>
    tpu.wait_indirect_dma semaphore(%arg19 : memref<!tpu.dma_semaphore, #tpu.memory_space<semaphore_mem>>) src(%dma_wait3A_478 : memref<128x64xf32, #tpu.memory_space<vmem>>) dst(%dma_wait3A_484 : memref<128x64xf32, #tpu.memory_space<vmem_shared>>)
    %dma_wait3A_485 = arith.constant 0 : i32
    %dma_wait3A_486 = arith.constant 0 : i32
    %dma_wait3A_487 = arith.constant 0 : i32
    %dma_wait3A_488 = arith.constant 0 : i32
    %dma_wait3A_489 = tpu.memref_slice %arg10[%dma_wait3A_485, %dma_wait3A_487, %dma_wait3A_488] : memref<2x128x64xf32, #tpu.memory_space<vmem>> -> memref<1x128x64xf32, #tpu.memory_space<vmem>>
    %dma_wait3A_490 = tpu.memref_squeeze %dma_wait3A_489 : memref<1x128x64xf32, #tpu.memory_space<vmem>> -> memref<128x64xf32, #tpu.memory_space<vmem>>
    %dma_wait3A_491 = arith.constant 0 : i32
    %dma_wait3A_492 = tpu.memref_slice %arg6[%dma_wait3A_486, %dma_wait3A_491] : memref<4x128xi32, #tpu.memory_space<vmem>> -> memref<1x128xi32, #tpu.memory_space<vmem>>
    %dma_wait3A_493 = tpu.memref_squeeze %dma_wait3A_492 : memref<1x128xi32, #tpu.memory_space<vmem>> -> memref<128xi32, #tpu.memory_space<vmem>>
    %dma_wait3A_494 = arith.constant 0 : i32
    %dma_wait3A_495 = arith.constant 0 : i32
    %dma_wait3A_496 = tpu.memref_slice %arg21[%dma_wait3A_494, %dma_wait3A_495] : memref<128x64xf32, #tpu.memory_space<vmem_shared>> -> memref<128x64xf32, #tpu.memory_space<vmem_shared>>
    tpu.wait_indirect_dma semaphore(%arg19 : memref<!tpu.dma_semaphore, #tpu.memory_space<semaphore_mem>>) src(%dma_wait3A_490 : memref<128x64xf32, #tpu.memory_space<vmem>>) dst(%dma_wait3A_496 : memref<128x64xf32, #tpu.memory_space<vmem_shared>>)
    %dma_wait3A_497 = arith.constant 0 : i32
    %dma_wait3A_498 = arith.constant 0 : i32
    %dma_wait3A_499 = tpu.memref_slice %arg6[%dma_wait3A_497, %dma_wait3A_498] : memref<4x128xi32, #tpu.memory_space<vmem>> -> memref<1x128xi32, #tpu.memory_space<vmem>>
    %dma_wait3A_500 = tpu.memref_squeeze %dma_wait3A_499 : memref<1x128xi32, #tpu.memory_space<vmem>> -> memref<128xi32, #tpu.memory_space<vmem>>
    %dma_wait3A_501 = arith.constant 0 : i32
    %dma_wait3A_502 = arith.constant 0 : i32
    %dma_wait3A_503 = tpu.memref_slice %arg22[%dma_wait3A_501, %dma_wait3A_502] : memref<128x16xf32, #tpu.memory_space<vmem_shared>> -> memref<128x16xf32, #tpu.memory_space<vmem_shared>>
    tpu.wait_indirect_dma semaphore(%arg19 : memref<!tpu.dma_semaphore, #tpu.memory_space<semaphore_mem>>) src(%arg12 : memref<128x16xf32, #tpu.memory_space<vmem>>) dst(%dma_wait3A_503 : memref<128x16xf32, #tpu.memory_space<vmem_shared>>)
    %dma_wait3A_504 = arith.constant 0 : i32
    %dma_wait3A_505 = arith.constant 2 : i32
    %dma_wait3A_506 = arith.constant 0 : i32
    %dma_wait3A_507 = arith.constant 0 : i32
    %dma_wait3A_508 = tpu.memref_slice %arg9[%dma_wait3A_504, %dma_wait3A_506, %dma_wait3A_507] : memref<2x128x64xf32, #tpu.memory_space<vmem>> -> memref<1x128x64xf32, #tpu.memory_space<vmem>>
    %dma_wait3A_509 = tpu.memref_squeeze %dma_wait3A_508 : memref<1x128x64xf32, #tpu.memory_space<vmem>> -> memref<128x64xf32, #tpu.memory_space<vmem>>
    %dma_wait3A_510 = arith.constant 0 : i32
    %dma_wait3A_511 = tpu.memref_slice %arg6[%dma_wait3A_505, %dma_wait3A_510] : memref<4x128xi32, #tpu.memory_space<vmem>> -> memref<1x128xi32, #tpu.memory_space<vmem>>
    %dma_wait3A_512 = tpu.memref_squeeze %dma_wait3A_511 : memref<1x128xi32, #tpu.memory_space<vmem>> -> memref<128xi32, #tpu.memory_space<vmem>>
    %dma_wait3A_513 = arith.constant 0 : i32
    %dma_wait3A_514 = arith.constant 0 : i32
    %dma_wait3A_515 = tpu.memref_slice %arg20[%dma_wait3A_513, %dma_wait3A_514] : memref<128x64xf32, #tpu.memory_space<vmem_shared>> -> memref<128x64xf32, #tpu.memory_space<vmem_shared>>
    tpu.wait_indirect_dma semaphore(%arg19 : memref<!tpu.dma_semaphore, #tpu.memory_space<semaphore_mem>>) src(%dma_wait3A_509 : memref<128x64xf32, #tpu.memory_space<vmem>>) dst(%dma_wait3A_515 : memref<128x64xf32, #tpu.memory_space<vmem_shared>>)
    %dma_wait3A_516 = arith.constant 0 : i32
    %dma_wait3A_517 = arith.constant 2 : i32
    %dma_wait3A_518 = arith.constant 0 : i32
    %dma_wait3A_519 = arith.constant 0 : i32
    %dma_wait3A_520 = tpu.memref_slice %arg11[%dma_wait3A_516, %dma_wait3A_518, %dma_wait3A_519] : memref<2x128x64xf32, #tpu.memory_space<vmem>> -> memref<1x128x64xf32, #tpu.memory_space<vmem>>
    %dma_wait3A_521 = tpu.memref_squeeze %dma_wait3A_520 : memref<1x128x64xf32, #tpu.memory_space<vmem>> -> memref<128x64xf32, #tpu.memory_space<vmem>>
    %dma_wait3A_522 = arith.constant 0 : i32
    %dma_wait3A_523 = tpu.memref_slice %arg6[%dma_wait3A_517, %dma_wait3A_522] : memref<4x128xi32, #tpu.memory_space<vmem>> -> memref<1x128xi32, #tpu.memory_space<vmem>>
    %dma_wait3A_524 = tpu.memref_squeeze %dma_wait3A_523 : memref<1x128xi32, #tpu.memory_space<vmem>> -> memref<128xi32, #tpu.memory_space<vmem>>
    %dma_wait3A_525 = arith.constant 0 : i32
    %dma_wait3A_526 = arith.constant 0 : i32
    %dma_wait3A_527 = tpu.memref_slice %arg21[%dma_wait3A_525, %dma_wait3A_526] : memref<128x64xf32, #tpu.memory_space<vmem_shared>> -> memref<128x64xf32, #tpu.memory_space<vmem_shared>>
    tpu.wait_indirect_dma semaphore(%arg19 : memref<!tpu.dma_semaphore, #tpu.memory_space<semaphore_mem>>) src(%dma_wait3A_521 : memref<128x64xf32, #tpu.memory_space<vmem>>) dst(%dma_wait3A_527 : memref<128x64xf32, #tpu.memory_space<vmem_shared>>)
    %dma_wait3A_528 = arith.constant 2 : i32
    %dma_wait3A_529 = arith.constant 0 : i32
    %dma_wait3A_530 = tpu.memref_slice %arg6[%dma_wait3A_528, %dma_wait3A_529] : memref<4x128xi32, #tpu.memory_space<vmem>> -> memref<1x128xi32, #tpu.memory_space<vmem>>
    %dma_wait3A_531 = tpu.memref_squeeze %dma_wait3A_530 : memref<1x128xi32, #tpu.memory_space<vmem>> -> memref<128xi32, #tpu.memory_space<vmem>>
    %dma_wait3A_532 = arith.constant 0 : i32
    %dma_wait3A_533 = arith.constant 0 : i32
    %dma_wait3A_534 = tpu.memref_slice %arg22[%dma_wait3A_532, %dma_wait3A_533] : memref<128x16xf32, #tpu.memory_space<vmem_shared>> -> memref<128x16xf32, #tpu.memory_space<vmem_shared>>
    tpu.wait_indirect_dma semaphore(%arg19 : memref<!tpu.dma_semaphore, #tpu.memory_space<semaphore_mem>>) src(%arg12 : memref<128x16xf32, #tpu.memory_space<vmem>>) dst(%dma_wait3A_534 : memref<128x16xf32, #tpu.memory_space<vmem_shared>>)
    %dma_wait3A_535 = arith.constant 1 : i32
    %dma_wait3A_536 = arith.constant 1 : i32
    %dma_wait3A_537 = arith.constant 0 : i32
    %dma_wait3A_538 = arith.constant 0 : i32
    %dma_wait3A_539 = tpu.memref_slice %arg8[%dma_wait3A_535, %dma_wait3A_537, %dma_wait3A_538] : memref<2x128x64xf32, #tpu.memory_space<vmem>> -> memref<1x128x64xf32, #tpu.memory_space<vmem>>
    %dma_wait3A_540 = tpu.memref_squeeze %dma_wait3A_539 : memref<1x128x64xf32, #tpu.memory_space<vmem>> -> memref<128x64xf32, #tpu.memory_space<vmem>>
    %dma_wait3A_541 = arith.constant 0 : i32
    %dma_wait3A_542 = tpu.memref_slice %arg6[%dma_wait3A_536, %dma_wait3A_541] : memref<4x128xi32, #tpu.memory_space<vmem>> -> memref<1x128xi32, #tpu.memory_space<vmem>>
    %dma_wait3A_543 = tpu.memref_squeeze %dma_wait3A_542 : memref<1x128xi32, #tpu.memory_space<vmem>> -> memref<128xi32, #tpu.memory_space<vmem>>
    %dma_wait3A_544 = arith.constant 0 : i32
    %dma_wait3A_545 = arith.constant 0 : i32
    %dma_wait3A_546 = tpu.memref_slice %arg20[%dma_wait3A_544, %dma_wait3A_545] : memref<128x64xf32, #tpu.memory_space<vmem_shared>> -> memref<128x64xf32, #tpu.memory_space<vmem_shared>>
    tpu.wait_indirect_dma semaphore(%arg19 : memref<!tpu.dma_semaphore, #tpu.memory_space<semaphore_mem>>) src(%dma_wait3A_540 : memref<128x64xf32, #tpu.memory_space<vmem>>) dst(%dma_wait3A_546 : memref<128x64xf32, #tpu.memory_space<vmem_shared>>)
    %dma_wait3A_547 = arith.constant 1 : i32
    %dma_wait3A_548 = arith.constant 1 : i32
    %dma_wait3A_549 = arith.constant 0 : i32
    %dma_wait3A_550 = arith.constant 0 : i32
    %dma_wait3A_551 = tpu.memref_slice %arg10[%dma_wait3A_547, %dma_wait3A_549, %dma_wait3A_550] : memref<2x128x64xf32, #tpu.memory_space<vmem>> -> memref<1x128x64xf32, #tpu.memory_space<vmem>>
    %dma_wait3A_552 = tpu.memref_squeeze %dma_wait3A_551 : memref<1x128x64xf32, #tpu.memory_space<vmem>> -> memref<128x64xf32, #tpu.memory_space<vmem>>
    %dma_wait3A_553 = arith.constant 0 : i32
    %dma_wait3A_554 = tpu.memref_slice %arg6[%dma_wait3A_548, %dma_wait3A_553] : memref<4x128xi32, #tpu.memory_space<vmem>> -> memref<1x128xi32, #tpu.memory_space<vmem>>
    %dma_wait3A_555 = tpu.memref_squeeze %dma_wait3A_554 : memref<1x128xi32, #tpu.memory_space<vmem>> -> memref<128xi32, #tpu.memory_space<vmem>>
    %dma_wait3A_556 = arith.constant 0 : i32
    %dma_wait3A_557 = arith.constant 0 : i32
    %dma_wait3A_558 = tpu.memref_slice %arg21[%dma_wait3A_556, %dma_wait3A_557] : memref<128x64xf32, #tpu.memory_space<vmem_shared>> -> memref<128x64xf32, #tpu.memory_space<vmem_shared>>
    tpu.wait_indirect_dma semaphore(%arg19 : memref<!tpu.dma_semaphore, #tpu.memory_space<semaphore_mem>>) src(%dma_wait3A_552 : memref<128x64xf32, #tpu.memory_space<vmem>>) dst(%dma_wait3A_558 : memref<128x64xf32, #tpu.memory_space<vmem_shared>>)
    %dma_wait3A_559 = arith.constant 1 : i32
    %dma_wait3A_560 = arith.constant 0 : i32
    %dma_wait3A_561 = tpu.memref_slice %arg6[%dma_wait3A_559, %dma_wait3A_560] : memref<4x128xi32, #tpu.memory_space<vmem>> -> memref<1x128xi32, #tpu.memory_space<vmem>>
    %dma_wait3A_562 = tpu.memref_squeeze %dma_wait3A_561 : memref<1x128xi32, #tpu.memory_space<vmem>> -> memref<128xi32, #tpu.memory_space<vmem>>
    %dma_wait3A_563 = arith.constant 0 : i32
    %dma_wait3A_564 = arith.constant 0 : i32
    %dma_wait3A_565 = tpu.memref_slice %arg22[%dma_wait3A_563, %dma_wait3A_564] : memref<128x16xf32, #tpu.memory_space<vmem_shared>> -> memref<128x16xf32, #tpu.memory_space<vmem_shared>>
    tpu.wait_indirect_dma semaphore(%arg19 : memref<!tpu.dma_semaphore, #tpu.memory_space<semaphore_mem>>) src(%arg12 : memref<128x16xf32, #tpu.memory_space<vmem>>) dst(%dma_wait3A_565 : memref<128x16xf32, #tpu.memory_space<vmem_shared>>)
    %dma_wait3A_566 = arith.constant 1 : i32
    %dma_wait3A_567 = arith.constant 3 : i32
    %dma_wait3A_568 = arith.constant 0 : i32
    %dma_wait3A_569 = arith.constant 0 : i32
    %dma_wait3A_570 = tpu.memref_slice %arg9[%dma_wait3A_566, %dma_wait3A_568, %dma_wait3A_569] : memref<2x128x64xf32, #tpu.memory_space<vmem>> -> memref<1x128x64xf32, #tpu.memory_space<vmem>>
    %dma_wait3A_571 = tpu.memref_squeeze %dma_wait3A_570 : memref<1x128x64xf32, #tpu.memory_space<vmem>> -> memref<128x64xf32, #tpu.memory_space<vmem>>
    %dma_wait3A_572 = arith.constant 0 : i32
    %dma_wait3A_573 = tpu.memref_slice %arg6[%dma_wait3A_567, %dma_wait3A_572] : memref<4x128xi32, #tpu.memory_space<vmem>> -> memref<1x128xi32, #tpu.memory_space<vmem>>
    %dma_wait3A_574 = tpu.memref_squeeze %dma_wait3A_573 : memref<1x128xi32, #tpu.memory_space<vmem>> -> memref<128xi32, #tpu.memory_space<vmem>>
    %dma_wait3A_575 = arith.constant 0 : i32
    %dma_wait3A_576 = arith.constant 0 : i32
    %dma_wait3A_577 = tpu.memref_slice %arg20[%dma_wait3A_575, %dma_wait3A_576] : memref<128x64xf32, #tpu.memory_space<vmem_shared>> -> memref<128x64xf32, #tpu.memory_space<vmem_shared>>
    tpu.wait_indirect_dma semaphore(%arg19 : memref<!tpu.dma_semaphore, #tpu.memory_space<semaphore_mem>>) src(%dma_wait3A_571 : memref<128x64xf32, #tpu.memory_space<vmem>>) dst(%dma_wait3A_577 : memref<128x64xf32, #tpu.memory_space<vmem_shared>>)
    %dma_wait3A_578 = arith.constant 1 : i32
    %dma_wait3A_579 = arith.constant 3 : i32
    %dma_wait3A_580 = arith.constant 0 : i32
    %dma_wait3A_581 = arith.constant 0 : i32
    %dma_wait3A_582 = tpu.memref_slice %arg11[%dma_wait3A_578, %dma_wait3A_580, %dma_wait3A_581] : memref<2x128x64xf32, #tpu.memory_space<vmem>> -> memref<1x128x64xf32, #tpu.memory_space<vmem>>
    %dma_wait3A_583 = tpu.memref_squeeze %dma_wait3A_582 : memref<1x128x64xf32, #tpu.memory_space<vmem>> -> memref<128x64xf32, #tpu.memory_space<vmem>>
    %dma_wait3A_584 = arith.constant 0 : i32
    %dma_wait3A_585 = tpu.memref_slice %arg6[%dma_wait3A_579, %dma_wait3A_584] : memref<4x128xi32, #tpu.memory_space<vmem>> -> memref<1x128xi32, #tpu.memory_space<vmem>>
    %dma_wait3A_586 = tpu.memref_squeeze %dma_wait3A_585 : memref<1x128xi32, #tpu.memory_space<vmem>> -> memref<128xi32, #tpu.memory_space<vmem>>
    %dma_wait3A_587 = arith.constant 0 : i32
    %dma_wait3A_588 = arith.constant 0 : i32
    %dma_wait3A_589 = tpu.memref_slice %arg21[%dma_wait3A_587, %dma_wait3A_588] : memref<128x64xf32, #tpu.memory_space<vmem_shared>> -> memref<128x64xf32, #tpu.memory_space<vmem_shared>>
    tpu.wait_indirect_dma semaphore(%arg19 : memref<!tpu.dma_semaphore, #tpu.memory_space<semaphore_mem>>) src(%dma_wait3A_583 : memref<128x64xf32, #tpu.memory_space<vmem>>) dst(%dma_wait3A_589 : memref<128x64xf32, #tpu.memory_space<vmem_shared>>)
    %dma_wait3A_590 = arith.constant 3 : i32
    %dma_wait3A_591 = arith.constant 0 : i32
    %dma_wait3A_592 = tpu.memref_slice %arg6[%dma_wait3A_590, %dma_wait3A_591] : memref<4x128xi32, #tpu.memory_space<vmem>> -> memref<1x128xi32, #tpu.memory_space<vmem>>
    %dma_wait3A_593 = tpu.memref_squeeze %dma_wait3A_592 : memref<1x128xi32, #tpu.memory_space<vmem>> -> memref<128xi32, #tpu.memory_space<vmem>>
    %dma_wait3A_594 = arith.constant 0 : i32
    %dma_wait3A_595 = arith.constant 0 : i32
    %dma_wait3A_596 = tpu.memref_slice %arg22[%dma_wait3A_594, %dma_wait3A_595] : memref<128x16xf32, #tpu.memory_space<vmem_shared>> -> memref<128x16xf32, #tpu.memory_space<vmem_shared>>
    tpu.wait_indirect_dma semaphore(%arg19 : memref<!tpu.dma_semaphore, #tpu.memory_space<semaphore_mem>>) src(%arg12 : memref<128x16xf32, #tpu.memory_space<vmem>>) dst(%dma_wait3A_596 : memref<128x16xf32, #tpu.memory_space<vmem_shared>>)
    %barrier3A_597 = arith.constant 0 : index
    tpu.barrier barrier_id(%barrier3A_597)
    %eq3A = arith.constant 0 : i32
    %eq3A_598 = arith.cmpi eq, %arg1, %eq3A : i32
    %convert_element_type3A = arith.extui %eq3A_598 : i1 to i32
    %cond3A = arith.constant 0 : i32
    %cond3A_599 = arith.cmpi ne, %convert_element_type3A, %cond3A : i32
    scf.if %cond3A_599 {
      "tpu.region"() ({
        %run_scoped3A = tpu.sem_alloc : memref<!tpu.dma_semaphore, #tpu.memory_space<semaphore_mem>>
        %dma_start3A_600 = arith.constant 0 : i32
        %dma_start3A_601 = arith.constant 0 : i32
        %dma_start3A_602 = tpu.memref_slice %arg4[%arg0, %dma_start3A_600, %dma_start3A_601] : memref<2x128x128xf32, #tpu.memory_space<hbm>> -> memref<1x128x64xf32, #tpu.memory_space<hbm>>
        %dma_start3A_603 = tpu.memref_squeeze %dma_start3A_602 : memref<1x128x64xf32, #tpu.memory_space<hbm>> -> memref<128x64xf32, #tpu.memory_space<hbm>>
        tpu.enqueue_dma source(%arg20 : memref<128x64xf32, #tpu.memory_space<vmem_shared>>) target(%dma_start3A_603 : memref<128x64xf32, #tpu.memory_space<hbm>>) target_semaphore(%run_scoped3A : memref<!tpu.dma_semaphore, #tpu.memory_space<semaphore_mem>>)
        %dma_wait3A_604 = arith.constant 0 : i32
        %dma_wait3A_605 = arith.constant 0 : i32
        %dma_wait3A_606 = tpu.memref_slice %arg4[%arg0, %dma_wait3A_604, %dma_wait3A_605] : memref<2x128x128xf32, #tpu.memory_space<hbm>> -> memref<1x128x64xf32, #tpu.memory_space<hbm>>
        %dma_wait3A_607 = tpu.memref_squeeze %dma_wait3A_606 : memref<1x128x64xf32, #tpu.memory_space<hbm>> -> memref<128x64xf32, #tpu.memory_space<hbm>>
        tpu.wait_dma2 semaphore(%run_scoped3A : memref<!tpu.dma_semaphore, #tpu.memory_space<semaphore_mem>>) src(%arg20 : memref<128x64xf32, #tpu.memory_space<vmem_shared>>) dst(%dma_wait3A_607 : memref<128x64xf32, #tpu.memory_space<hbm>>)
        tpu.yield
      }) : () -> ()
      "tpu.region"() ({
        %run_scoped3A = tpu.sem_alloc : memref<!tpu.dma_semaphore, #tpu.memory_space<semaphore_mem>>
        %dma_start3A_600 = arith.constant 0 : i32
        %dma_start3A_601 = arith.constant 64 : i32
        %dma_start3A_602 = tpu.memref_slice %arg4[%arg0, %dma_start3A_600, %dma_start3A_601] : memref<2x128x128xf32, #tpu.memory_space<hbm>> -> memref<1x128x64xf32, #tpu.memory_space<hbm>>
        %dma_start3A_603 = tpu.memref_squeeze %dma_start3A_602 : memref<1x128x64xf32, #tpu.memory_space<hbm>> -> memref<128x64xf32, #tpu.memory_space<hbm>>
        tpu.enqueue_dma source(%arg21 : memref<128x64xf32, #tpu.memory_space<vmem_shared>>) target(%dma_start3A_603 : memref<128x64xf32, #tpu.memory_space<hbm>>) target_semaphore(%run_scoped3A : memref<!tpu.dma_semaphore, #tpu.memory_space<semaphore_mem>>)
        %dma_wait3A_604 = arith.constant 0 : i32
        %dma_wait3A_605 = arith.constant 64 : i32
        %dma_wait3A_606 = tpu.memref_slice %arg4[%arg0, %dma_wait3A_604, %dma_wait3A_605] : memref<2x128x128xf32, #tpu.memory_space<hbm>> -> memref<1x128x64xf32, #tpu.memory_space<hbm>>
        %dma_wait3A_607 = tpu.memref_squeeze %dma_wait3A_606 : memref<1x128x64xf32, #tpu.memory_space<hbm>> -> memref<128x64xf32, #tpu.memory_space<hbm>>
        tpu.wait_dma2 semaphore(%run_scoped3A : memref<!tpu.dma_semaphore, #tpu.memory_space<semaphore_mem>>) src(%arg21 : memref<128x64xf32, #tpu.memory_space<vmem_shared>>) dst(%dma_wait3A_607 : memref<128x64xf32, #tpu.memory_space<hbm>>)
        tpu.yield
      }) : () -> ()
      "tpu.region"() ({
        %run_scoped3A = tpu.sem_alloc : memref<!tpu.dma_semaphore, #tpu.memory_space<semaphore_mem>>
        %dma_start3A_600 = arith.constant 0 : i32
        %dma_start3A_601 = arith.constant 0 : i32
        %dma_start3A_602 = tpu.memref_slice %arg5[%arg0, %dma_start3A_600, %dma_start3A_601] : memref<2x128x16xf32, #tpu.memory_space<hbm>> -> memref<1x128x16xf32, #tpu.memory_space<hbm>>
        %dma_start3A_603 = tpu.memref_squeeze %dma_start3A_602 : memref<1x128x16xf32, #tpu.memory_space<hbm>> -> memref<128x16xf32, #tpu.memory_space<hbm>>
        tpu.enqueue_dma source(%arg22 : memref<128x16xf32, #tpu.memory_space<vmem_shared>>) target(%dma_start3A_603 : memref<128x16xf32, #tpu.memory_space<hbm>>) target_semaphore(%run_scoped3A : memref<!tpu.dma_semaphore, #tpu.memory_space<semaphore_mem>>)
        %dma_wait3A_604 = arith.constant 0 : i32
        %dma_wait3A_605 = arith.constant 0 : i32
        %dma_wait3A_606 = tpu.memref_slice %arg5[%arg0, %dma_wait3A_604, %dma_wait3A_605] : memref<2x128x16xf32, #tpu.memory_space<hbm>> -> memref<1x128x16xf32, #tpu.memory_space<hbm>>
        %dma_wait3A_607 = tpu.memref_squeeze %dma_wait3A_606 : memref<1x128x16xf32, #tpu.memory_space<hbm>> -> memref<128x16xf32, #tpu.memory_space<hbm>>
        tpu.wait_dma2 semaphore(%run_scoped3A : memref<!tpu.dma_semaphore, #tpu.memory_space<semaphore_mem>>) src(%arg22 : memref<128x16xf32, #tpu.memory_space<vmem_shared>>) dst(%dma_wait3A_607 : memref<128x16xf32, #tpu.memory_space<hbm>>)
        tpu.yield
      }) : () -> ()
    } else {
    }
    return
  }
}

module attributes {stable_mosaic.version = 14 : i64} {
  func.func @_tc_combine_body(%arg0: memref<2x128x128xf32, #tpu.memory_space<vmem>>, %arg1: memref<2x128x16xf32, #tpu.memory_space<vmem>>, %arg2: memref<1x1xf32, #tpu.memory_space<smem>>) attributes {dimension_semantics = [], scalar_prefetch = 0 : i64, scratch_operands = 0 : i64, tpu.core_type = #tpu.core_type<tc>} {
    %get3A = arith.constant 0 : index
    %get3A_0 = arith.constant 0 : index
    %get3A_1 = arith.constant 0 : index
    %get3A_2 = vector.load %arg0[%get3A, %get3A_0, %get3A_1] : memref<2x128x128xf32, #tpu.memory_space<vmem>>, vector<1x128x128xf32>
    %get3A_3 = vector.shape_cast %get3A_2 : vector<1x128x128xf32> to vector<128x128xf32>
    %get3A_4 = arith.constant 1 : index
    %get3A_5 = arith.constant 0 : index
    %get3A_6 = arith.constant 0 : index
    %get3A_7 = vector.load %arg0[%get3A_4, %get3A_5, %get3A_6] : memref<2x128x128xf32, #tpu.memory_space<vmem>>, vector<1x128x128xf32>
    %get3A_8 = vector.shape_cast %get3A_7 : vector<1x128x128xf32> to vector<128x128xf32>
    %add3A = arith.addf %get3A_3, %get3A_8 : vector<128x128xf32>
    %slice3A = vector.extract_strided_slice %add3A {offsets = [0, 0], sizes = [128, 64], strides = [1, 1]} : vector<128x128xf32> to vector<128x64xf32>
    %slice3A_9 = vector.extract_strided_slice %add3A {offsets = [0, 64], sizes = [128, 64], strides = [1, 1]} : vector<128x128xf32> to vector<128x64xf32>
    %get3A_10 = arith.constant 0 : index
    %get3A_11 = arith.constant 0 : index
    %get3A_12 = arith.constant 0 : index
    %get3A_13 = vector.load %arg1[%get3A_10, %get3A_11, %get3A_12] : memref<2x128x16xf32, #tpu.memory_space<vmem>>, vector<1x128x1xf32>
    %get3A_14 = vector.shape_cast %get3A_13 : vector<1x128x1xf32> to vector<128x1xf32>
    %get3A_15 = arith.constant 1 : index
    %get3A_16 = arith.constant 0 : index
    %get3A_17 = arith.constant 0 : index
    %get3A_18 = vector.load %arg1[%get3A_15, %get3A_16, %get3A_17] : memref<2x128x16xf32, #tpu.memory_space<vmem>>, vector<1x128x1xf32>
    %get3A_19 = vector.shape_cast %get3A_18 : vector<1x128x1xf32> to vector<128x1xf32>
    %add3A_20 = arith.addf %get3A_14, %get3A_19 : vector<128x1xf32>
    %reduce_sum3A = arith.constant dense<0.000000e+00> : vector<128xf32>
    %reduce_sum3A_21 = vector.multi_reduction <add>, %slice3A_9, %reduce_sum3A [1] : vector<128x64xf32> to vector<128xf32>
    %broadcast_in_dim3A = vector.shape_cast %reduce_sum3A_21 : vector<128xf32> to vector<128x1xf32>
    %mul3A = arith.mulf %slice3A, %slice3A : vector<128x64xf32>
    %reduce_sum3A_22 = arith.constant dense<0.000000e+00> : vector<128xf32>
    %reduce_sum3A_23 = vector.multi_reduction <add>, %mul3A, %reduce_sum3A_22 [1] : vector<128x64xf32> to vector<128xf32>
    %broadcast_in_dim3A_24 = vector.shape_cast %reduce_sum3A_23 : vector<128xf32> to vector<128x1xf32>
    %max3A = arith.constant 1.000000e+00 : f32
    %max3A_25 = vector.broadcast %max3A : f32 to vector<128x1xf32>
    %max3A_26 = arith.maximumf %add3A_20, %max3A_25 : vector<128x1xf32>
    %div3A = arith.divf %broadcast_in_dim3A_24, %max3A_26 : vector<128x1xf32>
    %sub3A = arith.subf %broadcast_in_dim3A, %div3A : vector<128x1xf32>
    %div3A_27 = arith.divf %sub3A, %max3A_26 : vector<128x1xf32>
    %gt3A = arith.constant 0.000000e+00 : f32
    %gt3A_28 = vector.broadcast %gt3A : f32 to vector<128x1xf32>
    %gt3A_29 = arith.cmpf ogt, %add3A_20, %gt3A_28 : vector<128x1xf32>
    %convert_element_type3A = arith.extui %gt3A_29 : vector<128x1xi1> to vector<128x1xi32>
    %convert_element_type3A_30 = arith.sitofp %convert_element_type3A : vector<128x1xi32> to vector<128x1xf32>
    %reduce_sum3A_31 = vector.shape_cast %convert_element_type3A_30 : vector<128x1xf32> to vector<1x128x1xf32>
    %reduce_sum3A_32 = arith.constant dense<0.000000e+00> : vector<1xf32>
    %reduce_sum3A_33 = vector.multi_reduction <add>, %reduce_sum3A_31, %reduce_sum3A_32 [1, 2] : vector<1x128x1xf32> to vector<1xf32>
    %reduce_sum3A_34 = vector.shape_cast %reduce_sum3A_33 : vector<1xf32> to vector<1x1x1xf32>
    %reduce_sum3A_35 = vector.extract %reduce_sum3A_34[0, 0, 0] : f32 from vector<1x1x1xf32>
    %jit3A = arith.constant 0.000000e+00 : f32
    %broadcast_in_dim3A_36 = vector.broadcast %jit3A : f32 to vector<128x1xf32>
    %select_n3A = arith.select %gt3A_29, %div3A_27, %broadcast_in_dim3A_36 : vector<128x1xi1>, vector<128x1xf32>
    %reduce_sum3A_37 = vector.shape_cast %select_n3A : vector<128x1xf32> to vector<1x128x1xf32>
    %reduce_sum3A_38 = arith.constant dense<0.000000e+00> : vector<1xf32>
    %reduce_sum3A_39 = vector.multi_reduction <add>, %reduce_sum3A_37, %reduce_sum3A_38 [1, 2] : vector<1x128x1xf32> to vector<1xf32>
    %reduce_sum3A_40 = vector.shape_cast %reduce_sum3A_39 : vector<1xf32> to vector<1x1x1xf32>
    %reduce_sum3A_41 = vector.extract %reduce_sum3A_40[0, 0, 0] : f32 from vector<1x1x1xf32>
    %div3A_42 = arith.divf %reduce_sum3A_41, %reduce_sum3A_35 : f32
    %swap3A = arith.constant 0 : index
    %swap3A_43 = arith.constant 0 : index
    %swap3A_44 = memref.load %arg2[%swap3A, %swap3A_43] : memref<1x1xf32, #tpu.memory_space<smem>>
    memref.store %div3A_42, %arg2[%swap3A, %swap3A_43] : memref<1x1xf32, #tpu.memory_space<smem>>
    return
  }
}

module attributes {stable_mosaic.version = 14 : i64} {
  func.func @_pack_body(%arg0: i32, %arg1: memref<64x4096xf32, #tpu.memory_space<vmem>>, %arg2: memref<64x4096xf32, #tpu.memory_space<vmem>>, %arg3: memref<4096x128xf32, #tpu.memory_space<vmem>>) attributes {dimension_semantics = [#tpu.dimension_semantics<arbitrary>], iteration_bounds = array<i64: 2>, scalar_prefetch = 0 : i64, scratch_operands = 0 : i64, tpu.core_type = #tpu.core_type<tc>, window_params = [{transform_indices = @transform_0, window_bounds = array<i64: 64, 4096>}, {transform_indices = @transform_1, window_bounds = array<i64: 64, 4096>}, {transform_indices = @transform_2, window_bounds = array<i64: 4096, 128>}]} {
    %iota3A = tpu.iota {dimensions = array<i32: 0>} : vector<64x64xi32>
    %iota3A_0 = tpu.iota {dimensions = array<i32: 1>} : vector<64x64xi32>
    %eq3A = arith.cmpi eq, %iota3A, %iota3A_0 : vector<64x64xi32>
    %jit3A = arith.constant 1.000000e+00 : f32
    %jit3A_1 = arith.constant 0.000000e+00 : f32
    %broadcast_in_dim3A = vector.broadcast %jit3A : f32 to vector<64x64xf32>
    %broadcast_in_dim3A_2 = vector.broadcast %jit3A_1 : f32 to vector<64x64xf32>
    %select_n3A = arith.select %eq3A, %broadcast_in_dim3A, %broadcast_in_dim3A_2 : vector<64x64xi1>, vector<64x64xf32>
    %get3A = arith.constant 0 : index
    %get3A_3 = arith.constant 0 : index
    %get3A_4 = vector.load %arg1[%get3A, %get3A_3] : memref<64x4096xf32, #tpu.memory_space<vmem>>, vector<64x4096xf32>
    %dot_general3A = arith.constant dense<0.000000e+00> : vector<4096x64xf32>
    %dot_general3A_5 = tpu.matmul %get3A_4, %select_n3A, %dot_general3A {dimension_numbers = #tpu.dot_dimension_numbers<[0], [0], [1], [1], [0, 1, 1, 1], [], []>, transpose_lhs_hint = false} : vector<64x4096xf32>, vector<64x64xf32>, vector<4096x64xf32> -> vector<4096x64xf32>
    %get3A_6 = arith.constant 0 : index
    %get3A_7 = arith.constant 0 : index
    %get3A_8 = vector.load %arg2[%get3A_6, %get3A_7] : memref<64x4096xf32, #tpu.memory_space<vmem>>, vector<64x4096xf32>
    %dot_general3A_9 = arith.constant dense<0.000000e+00> : vector<4096x64xf32>
    %dot_general3A_10 = tpu.matmul %get3A_8, %select_n3A, %dot_general3A_9 {dimension_numbers = #tpu.dot_dimension_numbers<[0], [0], [1], [1], [0, 1, 1, 1], [], []>, transpose_lhs_hint = false} : vector<64x4096xf32>, vector<64x64xf32>, vector<4096x64xf32> -> vector<4096x64xf32>
    %swap3A = arith.constant 0 : index
    %swap3A_11 = arith.constant 0 : index
    %swap3A_12 = vector.load %arg3[%swap3A, %swap3A_11] : memref<4096x128xf32, #tpu.memory_space<vmem>>, vector<4096x64xf32>
    tpu.vector_store %arg3[%swap3A, %swap3A_11], %dot_general3A_5 {strides = array<i32>} : memref<4096x128xf32, #tpu.memory_space<vmem>>, vector<4096x64xf32>,
    %swap3A_13 = arith.constant 0 : index
    %swap3A_14 = arith.constant 64 : index
    %swap3A_15 = vector.load %arg3[%swap3A_13, %swap3A_14] : memref<4096x128xf32, #tpu.memory_space<vmem>>, vector<4096x64xf32>
    tpu.vector_store %arg3[%swap3A_13, %swap3A_14], %dot_general3A_10 {strides = array<i32>} : memref<4096x128xf32, #tpu.memory_space<vmem>>, vector<4096x64xf32>,
    return
  }
  func.func @transform_0(%arg0: i32) -> (i32, i32) {
    %c0_i32 = arith.constant 0 : i32
    %c0_i32_0 = arith.constant 0 : i32
    return %c0_i32, %arg0 : i32, i32
  }
  func.func @transform_1(%arg0: i32) -> (i32, i32) {
    %add3A = arith.constant 2 : i32
    %add3A_0 = arith.addi %arg0, %add3A : i32
    %c0_i32 = arith.constant 0 : i32
    %c0_i32_1 = arith.constant 0 : i32
    return %c0_i32, %add3A_0 : i32, i32
  }
  func.func @transform_2(%arg0: i32) -> (i32, i32) {
    %c0_i32 = arith.constant 0 : i32
    %c0_i32_0 = arith.constant 0 : i32
    return %arg0, %c0_i32 : i32, i32
  }
}

</mosaic_0001>

<sc_bundles>
// kernel: kernel.5.cloned.1.call-start
scs
__scs_entry_jumppad:
0x0: {  	(pc) =	sbr.rel $0x88, $3  }
0x1: {  	(tag) =	ssettag $0x0;
	lr =	simm.s32 $0x1  }
0x2: {  	[smem:$0x3F9F] =	sst lr;
	_ =	strace $0xD0000000  }
0x3: {  	_ = 	snop  }
0x4: {  	_ = 	snop  }
0x5: {  	_ = 	snop  }
0x6: {  	_ = 	snop  }
0x7: {  	_ = 	snop  }
__scs_overlays_trampoline_lowered:
0x8: {  	[smem:$0x3FAE] =	sst s0  }
0x9: {  	[smem:$0x3FAF] =	sst s1  }
0xa: {  	[smem:$0x3FB0] =	sst s2  }
0xb: {  	[smem:$0x3FB1] =	sst s3  }
0xc: {  	[smem:$0x3FB2] =	sst s4  }
0xd: {  	[smem:$0x3FB3] =	sst s5  }
0xe: {  	[smem:$0x3FB4] =	sst s6  }
0xf: {  	[smem:$0x3FB5] =	sst s7  }
0x10: {  	[smem:$0x3FB6] =	sst s8  }
0x11: {  	[smem:$0x3FB7] =	sst s9;
	s0 =	simm.s32 @!p0 $0x0  }
0x12: {  	s1 =	sld [smem:$0x3F9D];
	s0 =	simm.s32 @p0 $0x1  }
0x13: {  	[smem:$0x3FB8] =	sst s0;
	s0 =	simm.s32 @!p1 $0x0  }
0x14: {  	s2 =	sld [smem:$0x3F9C];
	s0 =	simm.s32 @p1 $0x1  }
0x15: {  	[smem:$0x3FB9] =	sst s0;
	s0 =	simm.s32 @!p2 $0x0  }
0x16: {  	s3 =	sld [smem:$0x3FDB];
	s0 =	simm.s32 @p2 $0x1  }
0x17: {  	s4 =	simm.s32 $0x1BF5;
	[smem:$0x3FBB] =	sst s0  }
0x18: {  	s0 =	sld [smem:$0x3F9E];
	_ =	swait.ge [sflag:s4], $0x0  }
0x19: {  	s7 =	sld [smem:$0x3F9F]  }
0x1a: {  	s8 =	sadd.s32 $0xFFFFE003, lr  }
0x1b: {  	s9 =	sadd.s32 $0xFFFFFEF7, lr;
	s5 =	simm.s32 $0xFFFFFFFF;
	p2 =	slt.u32 s8, $0xFFFFF086  }
0x1c: {  	p1 =	slt.u32 s9, $0xF7A;
	s5 =	simm.s32 @!p2 $0x0  }
0x1d: {  	s5 =	simm.s32 @p1 $0x1;
	p0 =	seq.s32 s7, s2  }
0x1e: {  	s7 =	smul.u32 @!p0 $0xF7A, s2;
	p2 =	seq.s32 @!p0 s5, $0x0  }
0x1f: {  	s9 =	smul.u32 $0xF7A, s1;
	s8 =	simm.s32 @!p0 $0x1BF5;
	p2 =	por !p2, p0  }
0x20: {  	[sflag:s8] =	ssyncset.s32 @!p0 $0xFFFFF086;
	s6 =	sadd.s32 @!p0 s3, s7;
	s7 =	simm.s32 @!p0 $0x108  }
0x21: {  	s3 =	sadd.s32 s3, s9;
	s6 =	sadd.s32 @!p0 $0x88, s6;
	s7 =	simm.s32 @p2 $0x1082  }
0x22: {  	[simem:s7], [sflag:s8] =	dma.local @!p0 [hbm:s6], $0xF7A  }
0x23: {  	s9 =	sor.u32 $0xD0000000, s2;
	s6 =	simm.s32 $0x108;
	_ =	swait.ge @!p0 [sflag:s8], $0x0  }
0x24: {  	s3 =	sadd.s32 $0x88, s3;
	s6 =	simm.s32 @!p1 $0x1082;
	[sflag:s4] =	ssyncset.s32 $0xFFFFF086  }
0x25: {  	[simem:s6], [sflag:s4] =	dma.local [hbm:s3], $0xF7A  }
0x26: {  	[smem:$0x3F9F] =	sst s1;
	(tag) =	ssettag s2;
	_ =	strace s9  }
0x27: {  	s1 =	sld [smem:$0x3FAF]  }
0x28: {  	s2 =	sld [smem:$0x3FB0]  }
0x29: {  	s4 =	sld [smem:$0x3FB2]  }
0x2a: {  	p0 =	seq.s32 s5, $0x0;
	s5 =	sld [smem:$0x3FB3]  }
0x2b: {  	s6 =	sld [smem:$0x3FB4]  }
0x2c: {  	s7 =	sld [smem:$0x3FB5]  }
0x2d: {  	s3 =	simm.s32 $0x108;
	s8 =	sld [smem:$0x3FB6]  }
0x2e: {  	s3 =	simm.s32 @!p0 $0x1082;
	s9 =	sld [smem:$0x3FB7]  }
0x2f: {  	lr =	sadd.s32 s0, s3;
	s0 =	sld [smem:$0x3FAE]  }
0x30: {  	s3 =	sld [smem:$0x3FB1]  }
0x31: {  	[smem:$0x3FBA] =	sst s10  }
0x32: {  	s10 =	sld [smem:$0x3FB8];
	_ =	sdelay $0x3  }
0x33: {  	p0 =	seq.s32 s10, $0x1;
	s10 =	sld [smem:$0x3FBA];
	_ =	sdelay $0x3  }
0x34: {  	[smem:$0x3FBA] =	sst s10  }
0x35: {  	s10 =	sld [smem:$0x3FB9];
	_ =	sdelay $0x3  }
0x36: {  	p1 =	seq.s32 s10, $0x1;
	s10 =	sld [smem:$0x3FBA];
	_ =	sdelay $0x3  }
0x37: {  	[smem:$0x3FBA] =	sst s10  }
0x38: {  	s10 =	sld [smem:$0x3FBB]  }
0x39: {  	_ = 	snop;
	(pc) =	sbr.ind lr, $3  }
0x3a: {  	_ = 	snop  }
0x3b: {  	_ = 	snop  }
0x3c: {  	p2 =	seq.s32 s10, $0x1;
	s10 =	sld [smem:$0x3FBA]  }
0x3d: {  	_ =	shalt  }
0x3e: {  	_ =	shalt  }
0x3f: {  	_ =	shalt  }
0x40: {  	_ =	shalt  }
0x41: {  	_ =	shalt  }
0x42: {  	_ =	shalt  }
0x43: {  	_ =	shalt  }
0x44: {  	_ =	shalt  }
0x45: {  	_ =	shalt  }
0x46: {  	_ =	shalt  }
0x47: {  	_ =	shalt  }
0x48: {  	_ =	shalt  }
0x49: {  	_ =	shalt  }
0x4a: {  	_ =	shalt  }
0x4b: {  	_ =	shalt  }
0x4c: {  	_ =	shalt  }
0x4d: {  	_ =	shalt  }
0x4e: {  	_ =	shalt  }
0x4f: {  	_ =	shalt  }
0x50: {  	_ =	shalt  }
0x51: {  	_ =	shalt  }
0x52: {  	_ =	shalt  }
0x53: {  	_ =	shalt  }
0x54: {  	_ =	shalt  }
0x55: {  	_ =	shalt  }
0x56: {  	_ =	shalt  }
0x57: {  	_ =	shalt  }
0x58: {  	_ =	shalt  }
0x59: {  	_ =	shalt  }
0x5a: {  	_ =	shalt  }
0x5b: {  	_ =	shalt  }
0x5c: {  	_ =	shalt  }
0x5d: {  	_ =	shalt  }
0x5e: {  	_ =	shalt  }
0x5f: {  	_ =	shalt  }
0x60: {  	_ =	shalt  }
0x61: {  	_ =	shalt  }
0x62: {  	_ =	shalt  }
0x63: {  	_ =	shalt  }
0x64: {  	_ =	shalt  }
0x65: {  	_ =	shalt  }
0x66: {  	_ =	shalt  }
0x67: {  	_ =	shalt  }
0x68: {  	_ =	shalt  }
0x69: {  	_ =	shalt  }
0x6a: {  	_ =	shalt  }
0x6b: {  	_ =	shalt  }
0x6c: {  	_ =	shalt  }
0x6d: {  	_ =	shalt  }
0x6e: {  	_ =	shalt  }
0x6f: {  	_ =	shalt  }
0x70: {  	_ =	shalt  }
0x71: {  	_ =	shalt  }
0x72: {  	_ =	shalt  }
0x73: {  	_ =	shalt  }
0x74: {  	_ =	shalt  }
0x75: {  	_ =	shalt  }
0x76: {  	_ =	shalt  }
0x77: {  	_ =	shalt  }
0x78: {  	_ =	shalt  }
0x79: {  	_ =	shalt  }
0x7a: {  	_ =	shalt  }
0x7b: {  	_ =	shalt  }
0x7c: {  	_ =	shalt  }
0x7d: {  	_ =	shalt  }
0x7e: {  	_ =	shalt  }
0x7f: {  	_ =	shalt  }
0x80: {  	_ =	shalt  }
0x81: {  	_ =	shalt  }
0x82: {  	_ =	shalt  }
0x83: {  	_ =	shalt  }
0x84: {  	_ =	shalt  }
0x85: {  	_ =	shalt  }
0x86: {  	_ =	shalt  }
0x87: {  	_ =	shalt  }
.Lfunc_end0:
.L_simem_size_0:
called_computation_lowered:
.L_overlay_start_0:
0x88: {  	s2 =	sld [smem:$0x3FD9]  }
0x89: {  	s3 =	sld [smem:$0x3FFE];
	_ =	sdelay $0x1  }
0x8a: {  	s1 =	srdreg.scid  }
0x8b: {  	s0 =	sand.u32 $0x1, s1  }
0x8c: {  	s17 =	sshll.u32 s0, $0xA;
	s2 =	sadd.s32 s3, s2  }
0x8d: {  	s2 =	sadd.s32 s2, s17  }
0x8e: {  	[smem:$0x3FC6] =	sst s2  }
0x8f: {  	_ = 	snop  }
0x90: {  	s2 =	sld [smem:$0x3FC8];
	(tm) =	ssettm $0x1  }
0x91: {  	s18 =	sld [smem:$0x3FFB];
	_ =	sdelay $0x3  }
0x92: {  	_ =	strace s18  }
0x93: {  	s3 =	sld [smem:$0x3FFC];
	_ =	sdelay $0x3  }
0x94: {  	_ =	strace s3  }
0x95: {  	s3 =	sld [smem:$0x3FFD];
	_ =	sdelay $0x3  }
0x96: {  	_ =	strace s3  }
0x97: {  	_ =	strace $0x8FFFFFFF  }
0x98: {  	s19 =	sld [smem:$0x3FDB];
	_ =	sdelay $0x1  }
0x99: {  	s4 =	simm.s32 $_scs_section_size  }
0x9a: {  	s5 =	simm.s32 $_size__tile_overlayer_lowered;
	s6 =	simm.s32 $_tile_overlayer_lowered  }
0x9b: {  	s22 =	simm.s32 $0x1BFF;
	s21 =	sshll.u32 s6, $0x1;
	s3 =	sadd.s32 s4, s19  }
0x9c: {  	s7 =	simm.s32 $0x0;
	s20 =	sshll.u32 s5, $0x1;
	s5 =	sadd.s32 s21, s3  }
0x9d: {  	[timem:s7], [sflag:s22] =	dma.local [hbm:s5], s20  }
0x9e: {  	_ =	swait.ge [sflag:s22], s20  }
0x9f: {  	s4 =	ssub.s32 $0x0, s20;
	[sflag:s22] =	ssyncset.done $0x0  }
0xa0: {  	[sflag:s22] =	ssyncadd.s32 s4;
	_ =	sdelay $0x1  }
0xa1: {  	s23 =	simm.s32 $0x1B8B  }
0xa2: {  	_ =	swait.ge [sflag:s23], $0x1  }
0xa3: {  	[sflag:s23] =	ssyncset.done $0x0  }
0xa4: {  	s25 =	simm.s32 $0x1B8E;
	s24 =	sld [smem:$0x3FFE];
	[sflag:s23] =	ssyncadd.s32 $0xFFFFFFFF  }
0xa5: {  	s26 =	simm.s32 $execute0_lowered;
	[smem:$0x3FD2] =	sst s25  }
0xa6: {  	s5 =	sshll.u32 s26, $0x1;
	_ =	strace $0x80000046;
	[dreg:$0x1] =	wrdreg $0xFFFFFFFF  }
0xa7: {  	s28 =	simm.s32 $_size_execute0_lowered;
	s3 =	sadd.s32 s3, s5;
	[dreg:$0x0] =	wrdreg $0x0  }
0xa8: {  	s5 =	sshll.u32 s28, $0x1;
	[dreg:$0x2] =	wrdreg s3  }
0xa9: {  	[dreg:$0x3] =	wrdreg s5  }
0xaa: {  	[dreg:$0x4] =	wrdreg $0xC0  }
0xab: {  	_ =	task [dreg:s7], $0x5FFFF  }
0xac: {  	[dreg:$0x1] =	wrdreg $0xFFFFFFFF  }
0xad: {  	[dreg:$0x0] =	wrdreg $0x60  }
0xae: {  	[dreg:$0x2] =	wrdreg s24  }
0xaf: {  	[dreg:$0x3] =	wrdreg s2  }
0xb0: {  	[dreg:$0x4] =	wrdreg $0x18C800  }
0xb1: {  	[dreg:$0x5] =	wrdreg $0x18E800  }
0xb2: {  	[dreg:$0x6] =	wrdreg $0x190800  }
0xb3: {  	[dreg:$0x7] =	wrdreg $0x9  }
0xb4: {  	_ =	task.clear_ibuf [dreg:s7], $0x8FFFF;
	_ =	strace $0x90000046  }
0xb5: {  	s29 =	simm.s32 $0x9;
	_ =	strace $0x80000048  }
0xb6: {  	_ =	swait.ge [sflag:s29], $0x1  }
0xb7: {  	[sflag:s29] =	ssyncadd.s32 $0xFFFFFFFF  }
0xb8: {  	_ =	strace $0x90000048  }
0xb9: {  	_ =	sfence  }
0xba: {  	s30 =	sld [smem:$0x0];
	_ =	sdelay $0x2  }
0xbb: {  	s31 =	sshll.u32 s1, $0xD;
	s1 =	sshrl.u32 s1, $0x2  }
0xbc: {  	s3 =	sand.u32 $0x4000, s31;
	s1 =	sadd.s32 s1, s30  }
0xbd: {  	s0 =	sor.u32 s3, s0;
	s1 =	sshll.u32 s1, $0x11  }
0xbe: {  	s0 =	sor.u32 s1, s0  }
0xbf: {  	s0 =	sadd.s32 $0x8F2B, s0  }
0xc0: {  	[sflag:s0] =	ssyncadd.remote.s32 $0x1  }
0xc1: {  	_ =	sfence.sel $0xFFFF  }
0xc2: {  	[dreg:$0x0] =	wrdreg $0xFFFFFFFF;
	(pc) =	sbr.abs _section_cstart, $3  }
0xc3: {  	[dreg:$0x1] =	wrdreg $0xFFFFFFFF  }
0xc4: {  	_ =	task.clear_ibuf [dreg:s7], $0x2FFFF;
	_ =	strace $0x9FFFFFFF  }
0xc5: {  	(tm) =	ssettm $0x7FFFFFFF  }
tec
execute0_lowered:
.L_overlay_start_1:
0x0: {  	(tag) =	ssettag $0x1  }
0x1: {  	s2 =	rddreg [dreg:$0x0]  }
0x2: {  	s5 =	rddreg [dreg:$0x1]  }
0x3: {  	s0 =	rddreg [dreg:$0x2]  }
0x4: {  	s1 =	rddreg [dreg:$0x3];
	s4 =	srdreg.scid  }
0x5: {  	s6 =	stileid.u32;
	s3 =	rddreg [dreg:$0x4];
	s18 =	simm.s32 $0x100  }
0x6: {  	s29 =	simm.s32 $0x18200;
	s30 =	simm.s32 $0x5;
	s31 =	simm.s32 $0x0  }
0x7: {  	s7 =	sand.u32 $0x1, s4;
	s8 =	sshll.u32 s6, $0x1;
	s4 =	simm.s32 $0x0  }
0x8: {  	s24 =	sshll.u32 s6, $0x9;
	p0 =	sne.s32 s6, $0x0;
	s8 =	sor.u32 s7, s8  }
0x9: {  	[smem:$0x7FF] =	sst s4;
	s10 =	sshll.u32 s7, $0xB;
	s11 =	sshll.u32 s7, $0x8  }
0xa: {  	s7 =	ssub.s32 $0x2, s7;
	s26 =	sadd.s32 s24, s0;
	s28 =	sshrl.u32 s24, $0x2  }
0xb: {  	s9 =	sshll.u32 s8, $0xC;
	_ =	strace $0x80000047;
	s10 =	sadd.s32 s10, s2  }
0xc: {  	s20 =	sshrl.u32 s7, $0x1;
	s22 =	sshll.u32 s8, $0x5;
	[dreg:$0x9] =	wrdreg s26  }
0xd: {  	s9 =	sadd.s32 s9, s2;
	s2 =	sadd.s32 s11, s2;
	s15 =	ssub.s32 s7, s20  }
0xe: {  	s7 =	sadd.s32 s5, s22;
	s5 =	sadd.s32 s24, s1;
	s11 =	sadd.s32 s28, s3  }
0xf: {  	s12 =	sadd.s32 $0x21000, s10;
	s13 =	sadd.s32 $0x21008, s10;
	s20 =	simm.s32 $0x6  }
0x10: {  	s22 =	simm.s32 $0x3;
	s21 =	sadd.s32 $0xE00, s9;
	[dreg:$0xa] =	wrdreg s5  }
0x11: {  	s24 =	simm.s32 $0x1;
	s23 =	sadd.s32 $0x1600, s9;
	[dreg:$0x6] =	wrdreg s21  }
0x12: {  	s25 =	sadd.s32 $0x400, s7;
	s14 =	sadd.s32 $0x20E00, s2;
	[dreg:$0x7] =	wrdreg s23  }
0x13: {  	s15 =	smax.u32 s15, $0x1;
	s2 =	simm.s32 $0x2;
	[dreg:$0x8] =	wrdreg s25  }
0x14: {  	v0 =	vimm.f32 $0.0e+00;
	v1 =	vimm.f32 $1.000000000e+00;
	s23 =	simm.s32 $0x4;
	s25 =	simm.s32 $0x80;
	s21 =	simm.s32 $0x180  }
.LBB2_1:
0x15: {  	s5 =	rddreg [dreg:$0x6];
	s6 =	simm.s32 $0x200  }
0x16: {  	[tilespmem:s6], [sflag:$0x1] =	stream.linear.gather [hbm4b:s5+s4], $0x4000, $0x38;
	[tilespmem:$0x19100] =	vst v63  }
0x17: {  	s9 =	rddreg [dreg:$0x7];
	s10 =	simm.s32 $0x4200  }
0x18: {  	[tilespmem:s10], [sflag:$0x2] =	stream.linear.gather [hbm4b:s9+s4], $0x4000, $0x38;
	[tilespmem:$0x19100] =	vst v63  }
0x19: {  	_ = 	snop  }
0x1a: {  	[tilespmem:s4], [sflag:$0x3] =	stream.linear.gather [hbm4b:s7+s4], $0x100, $0x38;
	[tilespmem:$0x19100] =	vst v63  }
0x1b: {  	s16 =	rddreg [dreg:$0x8]  }
0x1c: {  	[tilespmem:s18], [sflag:$0x4] =	stream.linear.gather [hbm4b:s16+s4], $0x100, $0x38;
	[tilespmem:$0x19100] =	vst v63  }
0x1d: {  	[tilespmem:$0x18A00] =	vst v0  }
0x1e: {  	[tilespmem:$0x18A10] =	vst v0  }
0x1f: {  	[tilespmem:$0x18A20] =	vst v0  }
0x20: {  	[tilespmem:$0x18A30] =	vst v0  }
0x21: {  	[tilespmem:$0x18C00] =	vst v0  }
0x22: {  	[tilespmem:$0x18A40] =	vst v0  }
0x23: {  	[tilespmem:$0x18A50] =	vst v0  }
0x24: {  	[tilespmem:$0x18A60] =	vst v0  }
0x25: {  	[tilespmem:$0x18A70] =	vst v0  }
0x26: {  	[tilespmem:$0x18C10] =	vst v0  }
0x27: {  	[tilespmem:$0x18A80] =	vst v0  }
0x28: {  	[tilespmem:$0x18A90] =	vst v0  }
0x29: {  	[tilespmem:$0x18AA0] =	vst v0  }
0x2a: {  	[tilespmem:$0x18AB0] =	vst v0  }
0x2b: {  	[tilespmem:$0x18C20] =	vst v0  }
0x2c: {  	[tilespmem:$0x18AC0] =	vst v0  }
0x2d: {  	[tilespmem:$0x18AD0] =	vst v0  }
0x2e: {  	[tilespmem:$0x18AE0] =	vst v0  }
0x2f: {  	[tilespmem:$0x18AF0] =	vst v0  }
0x30: {  	[tilespmem:$0x18C30] =	vst v0  }
0x31: {  	[tilespmem:$0x18B00] =	vst v0  }
0x32: {  	[tilespmem:$0x18B10] =	vst v0  }
0x33: {  	[tilespmem:$0x18B20] =	vst v0  }
0x34: {  	[tilespmem:$0x18B30] =	vst v0  }
0x35: {  	[tilespmem:$0x18C40] =	vst v0  }
0x36: {  	[tilespmem:$0x18B40] =	vst v0  }
0x37: {  	[tilespmem:$0x18B50] =	vst v0  }
0x38: {  	[tilespmem:$0x18B60] =	vst v0  }
0x39: {  	[tilespmem:$0x18B70] =	vst v0  }
0x3a: {  	[tilespmem:$0x18C50] =	vst v0  }
0x3b: {  	[tilespmem:$0x18B80] =	vst v0  }
0x3c: {  	[tilespmem:$0x18B90] =	vst v0  }
0x3d: {  	[tilespmem:$0x18BA0] =	vst v0  }
0x3e: {  	[tilespmem:$0x18BB0] =	vst v0  }
0x3f: {  	[tilespmem:$0x18C60] =	vst v0  }
0x40: {  	[tilespmem:$0x18BC0] =	vst v0  }
0x41: {  	[tilespmem:$0x18BD0] =	vst v0  }
0x42: {  	[tilespmem:$0x18BE0] =	vst v0  }
0x43: {  	[tilespmem:$0x18BF0] =	vst v0  }
0x44: {  	s17 =	rddreg [dreg:$0x9];
	s19 =	simm.s32 $0x18A00;
	[tilespmem:$0x18C70] =	vst v0  }
0x45: {  	[spmem:s17] =	stream.linear.scatter [tilespmem:s19], [sflag:$0x6], $0x200, $0x38;
	[tilespmem:$0x19100] =	vst v63  }
0x46: {  	_ =	swait.ge [sflag:s20], $0x200  }
0x47: {  	[sflag:s20] =	ssyncset.done $0x0  }
0x48: {  	s26 =	rddreg [dreg:$0xa];
	[sflag:s20] =	ssyncadd.s32 $0xFFFFFE00  }
0x49: {  	[spmem:s26] =	stream.linear.scatter [tilespmem:s19], [sflag:$0x6], $0x200, $0x38;
	[tilespmem:$0x19100] =	vst v63  }
0x4a: {  	_ =	swait.ge [sflag:s20], $0x200  }
0x4b: {  	[sflag:s20] =	ssyncset.done $0x0  }
0x4c: {  	s28 =	simm.s32 $0x18C00;
	[sflag:s20] =	ssyncadd.s32 $0xFFFFFE00  }
0x4d: {  	[spmem:s11] =	stream.linear.scatter [tilespmem:s28], [sflag:$0x6], $0x80, $0x38;
	[tilespmem:$0x19100] =	vst v63  }
0x4e: {  	_ =	swait.ge [sflag:s20], $0x80  }
0x4f: {  	[sflag:s20] =	ssyncset.done $0x0  }
0x50: {  	s5 =	simm.s32 $0x40;
	s6 =	simm.s32 $0x0;
	[sflag:s20] =	ssyncadd.s32 $0xFFFFFF80  }
.LBB2_2:
0x51: {  	p1 =	sne.s32 s5, $0x1FC0;
	[tilespmem:s6+$0x18200] =	vst v1;
	s6 =	smov.u32 s5;
	s5 =	sadd.s32 $0x40, s5  }
.Ltmp0:
0x52: {  	(pc) =	sbr.rel @p1 .LBB2_2-.Ltmp0, $2  }
0x53: {  	_ =	sdelay $0x2  }
0x54: {  	s6 =	sshra.s32 s6, $0x2  }
0x55: {  	[tilespmem:s6+$0x18200] =	vst v1  }
0x56: {  	[bflag:$0x0] =	sbarrier.arrive $0xFFFF  }
0x57: {  	_ =	swait.ge [sflag:s22], $0x100  }
0x58: {  	[sflag:s22] =	ssyncset.done $0x0  }
0x59: {  	[sflag:s22] =	ssyncadd.s32 $0xFFFFFF00  }
0x5a: {  	_ =	swait.ge [sflag:s23], $0x100  }
0x5b: {  	[sflag:s23] =	ssyncset.done $0x0  }
0x5c: {  	[sflag:s23] =	ssyncadd.s32 $0xFFFFFF00  }
0x5d: {  	_ =	swait.ge [sflag:s24], $0x4000  }
0x5e: {  	[sflag:s24] =	ssyncset.done $0x0  }
0x5f: {  	s10 =	simm.s32 $0x300;
	[sflag:s24] =	ssyncadd.s32 $0xFFFFC000  }
0x60: {  	v2 =	vld [tilespmem:s10+$0xFFFFFF00]  }
0x61: {  	v3 =	vld [tilespmem:s10+$0xFFFFFF40]  }
0x62: {  	v4 =	vld [tilespmem:s10+$0x80]  }
0x63: {  	v5 =	vld [tilespmem:s10+$0x0]  }
0x64: {  	v6 =	vld [tilespmem:s10+$0xFFFFFF80]  }
0x65: {  	s16 =	simm.s32 $0x8280;
	v7 =	vld [tilespmem:s10+$0xC0]  }
0x66: {  	v9 =	vld [tilespmem:s10+$0xFFFFFFC0];
	[tilespmem:s16+$0xFFFFFF80] =	vst v2  }
0x67: {  	v8 =	vld [tilespmem:s10+$0x40];
	[tilespmem:s16+$0x40] =	vst v4  }
0x68: {  	[tilespmem:s16+$0x0] =	vst v5  }
0x69: {  	s26 =	simm.s32 $0xC280;
	[tilespmem:s16+$0xFFFFFFC0] =	vst v6  }
0x6a: {  	[tilespmem:s26+$0xFFFFFF80] =	vst v3  }
0x6b: {  	[tilespmem:s26+$0xFFFFFFC0] =	vst v9  }
0x6c: {  	v2 =	vmul.f32 v2, v2;
	[tilespmem:s26+$0x0] =	vst v8  }
0x6d: {  	s17 =	simm.s32 $0x10280;
	v3 =	vmul.f32 v3, v3;
	[tilespmem:s26+$0x40] =	vst v7  }
0x6e: {  	s28 =	simm.s32 $0x14280;
	[tilespmem:s17+$0xFFFFFF80] =	vst v2;
	v2 =	vmul.f32 v6, v6  }
0x6f: {  	v6 =	vmul.f32 v9, v9;
	[tilespmem:s28+$0xFFFFFF80] =	vst v3  }
0x70: {  	[tilespmem:s17+$0xFFFFFFC0] =	vst v2;
	v2 =	vmul.f32 v5, v5  }
0x71: {  	v3 =	vld [tilespmem:s10+$0xFFFFFF10];
	v5 =	vmul.f32 v8, v8;
	[tilespmem:s28+$0xFFFFFFC0] =	vst v6  }
0x72: {  	v4 =	vmul.f32 v4, v4;
	[tilespmem:s17+$0x0] =	vst v2;
	v2 =	vld [tilespmem:s10+$0xFFFFFF50]  }
0x73: {  	v7 =	vmul.f32 v7, v7;
	[tilespmem:s28+$0x0] =	vst v5;
	v5 =	vld [tilespmem:s10+$0xFFFFFF90]  }
0x74: {  	[tilespmem:s17+$0x40] =	vst v4  }
0x75: {  	[tilespmem:s28+$0x40] =	vst v7;
	v6 =	vld [tilespmem:s10+$0xFFFFFFD0]  }
0x76: {  	[tilespmem:s16+$0xFFFFFF90] =	vst v3  }
0x77: {  	v4 =	vld [tilespmem:s10+$0x10];
	v3 =	vmul.f32 v3, v3;
	[tilespmem:s26+$0xFFFFFF90] =	vst v2  }
0x78: {  	v7 =	vld [tilespmem:s10+$0x50];
	[tilespmem:s16+$0xFFFFFFD0] =	vst v5  }
0x79: {  	v2 =	vmul.f32 v2, v2;
	[tilespmem:s17+$0xFFFFFF90] =	vst v3  }
0x7a: {  	[tilespmem:s26+$0xFFFFFFD0] =	vst v6  }
0x7b: {  	[tilespmem:s28+$0xFFFFFF90] =	vst v2  }
0x7c: {  	v5 =	vmul.f32 v5, v5;
	v2 =	vld [tilespmem:s10+$0x90];
	[tilespmem:s16+$0x10] =	vst v4  }
0x7d: {  	v3 =	vld [tilespmem:s10+$0xD0];
	v6 =	vmul.f32 v6, v6;
	[tilespmem:s26+$0x10] =	vst v7  }
0x7e: {  	v4 =	vmul.f32 v4, v4;
	v59 =	vld [tilespmem:s10+$0xFFFFFF20];
	[tilespmem:s17+$0xFFFFFFD0] =	vst v5  }
0x7f: {  	v60 =	vld [tilespmem:s10+$0xFFFFFF60];
	[tilespmem:s28+$0xFFFFFFD0] =	vst v6  }
0x80: {  	[tilespmem:s17+$0x10] =	vst v4  }
0x81: {  	[tilespmem:s16+$0x50] =	vst v2  }
0x82: {  	v6 =	vld [tilespmem:s10+$0xFFFFFFA0];
	[tilespmem:s26+$0x50] =	vst v3  }
0x83: {  	v2 =	vmul.f32 v2, v2;
	[tilespmem:s16+$0xFFFFFFA0] =	vst v59  }
0x84: {  	v62 =	vld [tilespmem:s10+$0xFFFFFFE0];
	v5 =	vmul.f32 v59, v59;
	[tilespmem:s26+$0xFFFFFFA0] =	vst v60  }
0x85: {  	[tilespmem:s17+$0x50] =	vst v2  }
0x86: {  	v61 =	vmul.f32 v60, v60;
	[tilespmem:s17+$0xFFFFFFA0] =	vst v5  }
0x87: {  	[tilespmem:s16+$0xFFFFFFE0] =	vst v6  }
0x88: {  	v2 =	vmul.f32 v3, v3;
	[tilespmem:s28+$0xFFFFFFA0] =	vst v61  }
0x89: {  	v3 =	vmul.f32 v7, v7;
	[tilespmem:s26+$0xFFFFFFE0] =	vst v62  }
0x8a: {  	v5 =	vmul.f32 v6, v6;
	[tilespmem:s28+$0x50] =	vst v2;
	v4 =	vld [tilespmem:s10+$0xFFFFFF30]  }
0x8b: {  	v6 =	vmul.f32 v62, v62;
	[tilespmem:s28+$0x10] =	vst v3;
	v3 =	vld [tilespmem:s10+$0xA0]  }
0x8c: {  	[tilespmem:s17+$0xFFFFFFE0] =	vst v5;
	v5 =	vld [tilespmem:s10+$0xFFFFFF70]  }
0x8d: {  	[tilespmem:s28+$0xFFFFFFE0] =	vst v6  }
0x8e: {  	v6 =	vld [tilespmem:s10+$0xFFFFFFB0]  }
0x8f: {  	v7 =	vld [tilespmem:s10+$0xFFFFFFF0];
	[tilespmem:s16+$0xFFFFFFB0] =	vst v4  }
0x90: {  	v2 =	vmul.f32 v4, v4;
	v4 =	vld [tilespmem:s10+$0xE0];
	[tilespmem:s16+$0x60] =	vst v3  }
0x91: {  	[tilespmem:s26+$0xFFFFFFB0] =	vst v5  }
0x92: {  	[tilespmem:s17+$0xFFFFFFB0] =	vst v2  }
0x93: {  	v2 =	vld [tilespmem:s10+$0x20];
	[tilespmem:s16+$0xFFFFFFF0] =	vst v6;
	v6 =	vmul.f32 v6, v6  }
0x94: {  	[tilespmem:s26+$0xFFFFFFF0] =	vst v7  }
0x95: {  	v63 =	vld [tilespmem:s10+$0x60];
	v3 =	vmul.f32 v3, v3;
	[tilespmem:s17+$0xFFFFFFF0] =	vst v6  }
0x96: {  	[tilespmem:s26+$0x60] =	vst v4  }
0x97: {  	v4 =	vmul.f32 v4, v4;
	[tilespmem:s17+$0x60] =	vst v3  }
0x98: {  	[tilespmem:s16+$0x20] =	vst v2  }
0x99: {  	v2 =	vmul.f32 v2, v2;
	[tilespmem:s28+$0x60] =	vst v4  }
0x9a: {  	v3 =	vmul.f32 v63, v63;
	[tilespmem:s26+$0x20] =	vst v63;
	v6 =	vld [tilespmem:s10+$0xB0]  }
0x9b: {  	v5 =	vmul.f32 v5, v5;
	[tilespmem:s17+$0x20] =	vst v2;
	v2 =	vld [tilespmem:s10+$0xF0]  }
0x9c: {  	v4 =	vmul.f32 v7, v7;
	[tilespmem:s28+$0x20] =	vst v3  }
0x9d: {  	[tilespmem:s28+$0xFFFFFFB0] =	vst v5;
	v3 =	vld [tilespmem:s10+$0x30]  }
0x9e: {  	[tilespmem:s28+$0xFFFFFFF0] =	vst v4;
	v4 =	vld [tilespmem:s10+$0x70]  }
0x9f: {  	s5 =	simm.s32 $0x0;
	s19 =	simm.s32 $0xC380;
	s8 =	simm.s32 $0x8380;
	[tilespmem:s16+$0x70] =	vst v6;
	v5 =	vmul.f32 v6, v6  }
0xa0: {  	s9 =	simm.s32 $0x500;
	s6 =	simm.s32 $0x14280;
	s10 =	simm.s32 $0x10280;
	[tilespmem:s26+$0x70] =	vst v2  }
.LBB2_4:
0xa1: {  	v6 =	vld [tilespmem:s9+$0xFFFFFF00];
	s5 =	sadd.s32 $0x4, s5;
	[tilespmem:s17+$0x70] =	vst v5;
	s28 =	sadd.s32 $0x100, s28;
	s10 =	sadd.s32 $0x100, s10  }
0xa2: {  	v5 =	vld [tilespmem:s9+$0xFFFFFF40];
	p1 =	slt.u32 s5, $0x7C;
	[tilespmem:s16+$0x30] =	vst v3;
	v3 =	vmul.f32 v3, v3;
	s16 =	smov.u32 s8  }
0xa3: {  	v2 =	vmul.f32 v2, v2;
	v7 =	vld [tilespmem:s9+$0x80];
	[tilespmem:s26+$0x30] =	vst v4;
	v4 =	vmul.f32 v4, v4;
	s26 =	smov.u32 s19  }
0xa4: {  	v8 =	vld [tilespmem:s9+$0x0];
	[tilespmem:s17+$0x30] =	vst v3;
	s17 =	smov.u32 s10  }
0xa5: {  	v3 =	vld [tilespmem:s9+$0xFFFFFF80];
	[tilespmem:s6+$0x30] =	vst v4  }
0xa6: {  	v4 =	vld [tilespmem:s9+$0xC0];
	[tilespmem:s6+$0x70] =	vst v2;
	s6 =	smov.u32 s28  }
0xa7: {  	[tilespmem:s8+$0xFFFFFF80] =	vst v6;
	v2 =	vld [tilespmem:s9+$0x40]  }
0xa8: {  	v9 =	vld [tilespmem:s9+$0xFFFFFFC0];
	[tilespmem:s8+$0x40] =	vst v7  }
0xa9: {  	[tilespmem:s8+$0x0] =	vst v8  }
0xaa: {  	v6 =	vmul.f32 v6, v6;
	[tilespmem:s8+$0xFFFFFFC0] =	vst v3  }
0xab: {  	v7 =	vmul.f32 v7, v7;
	[tilespmem:s19+$0xFFFFFF80] =	vst v5;
	v5 =	vmul.f32 v5, v5  }
0xac: {  	v3 =	vmul.f32 v3, v3;
	[tilespmem:s10+$0xFFFFFF80] =	vst v6  }
0xad: {  	[tilespmem:s19+$0xFFFFFFC0] =	vst v9  }
0xae: {  	[tilespmem:s10+$0xFFFFFFC0] =	vst v3  }
0xaf: {  	v3 =	vmul.f32 v8, v8;
	[tilespmem:s28+$0xFFFFFF80] =	vst v5  }
0xb0: {  	v5 =	vld [tilespmem:s9+$0xFFFFFF10];
	[tilespmem:s19+$0x0] =	vst v2;
	v2 =	vmul.f32 v2, v2  }
0xb1: {  	v6 =	vmul.f32 v9, v9;
	[tilespmem:s10+$0x0] =	vst v3  }
0xb2: {  	v3 =	vld [tilespmem:s9+$0xFFFFFF50];
	[tilespmem:s28+$0x0] =	vst v2  }
0xb3: {  	[tilespmem:s28+$0xFFFFFFC0] =	vst v6;
	v2 =	vld [tilespmem:s9+$0x10]  }
0xb4: {  	v6 =	vld [tilespmem:s9+$0xFFFFFF90];
	[tilespmem:s19+$0x40] =	vst v4  }
0xb5: {  	v4 =	vmul.f32 v4, v4;
	[tilespmem:s8+$0xFFFFFF90] =	vst v5;
	v8 =	vld [tilespmem:s9+$0xFFFFFFD0]  }
0xb6: {  	[tilespmem:s10+$0x40] =	vst v7  }
0xb7: {  	[tilespmem:s28+$0x40] =	vst v4  }
0xb8: {  	[tilespmem:s19+$0xFFFFFF90] =	vst v3;
	v4 =	vld [tilespmem:s9+$0xD0]  }
0xb9: {  	v5 =	vmul.f32 v5, v5;
	[tilespmem:s8+$0xFFFFFFD0] =	vst v6;
	v7 =	vld [tilespmem:s9+$0x50]  }
0xba: {  	v3 =	vmul.f32 v3, v3;
	[tilespmem:s19+$0xFFFFFFD0] =	vst v8  }
0xbb: {  	[tilespmem:s10+$0xFFFFFF90] =	vst v5  }
0xbc: {  	[tilespmem:s28+$0xFFFFFF90] =	vst v3;
	v3 =	vld [tilespmem:s9+$0x90]  }
0xbd: {  	v5 =	vmul.f32 v6, v6;
	[tilespmem:s8+$0x10] =	vst v2  }
0xbe: {  	v8 =	vmul.f32 v8, v8;
	v6 =	vld [tilespmem:s9+$0xFFFFFF20];
	[tilespmem:s19+$0x10] =	vst v7  }
0xbf: {  	v9 =	vld [tilespmem:s9+$0xFFFFFF60];
	[tilespmem:s10+$0xFFFFFFD0] =	vst v5  }
0xc0: {  	[tilespmem:s28+$0xFFFFFFD0] =	vst v8  }
0xc1: {  	[tilespmem:s8+$0x50] =	vst v3  }
0xc2: {  	[tilespmem:s19+$0x50] =	vst v4  }
0xc3: {  	[tilespmem:s8+$0xFFFFFFA0] =	vst v6;
	v5 =	vmul.f32 v6, v6;
	v6 =	vld [tilespmem:s9+$0xFFFFFFA0]  }
0xc4: {  	[tilespmem:s19+$0xFFFFFFA0] =	vst v9;
	v8 =	vmul.f32 v9, v9;
	v9 =	vld [tilespmem:s9+$0xFFFFFFE0]  }
0xc5: {  	v2 =	vmul.f32 v2, v2;
	[tilespmem:s10+$0xFFFFFFA0] =	vst v5  }
0xc6: {  	[tilespmem:s28+$0xFFFFFFA0] =	vst v8  }
0xc7: {  	v5 =	vld [tilespmem:s9+$0xFFFFFF30];
	[tilespmem:s10+$0x10] =	vst v2  }
0xc8: {  	v3 =	vmul.f32 v3, v3;
	v2 =	vld [tilespmem:s9+$0xFFFFFF70];
	[tilespmem:s8+$0xFFFFFFE0] =	vst v6;
	v6 =	vmul.f32 v6, v6  }
0xc9: {  	v7 =	vmul.f32 v7, v7;
	[tilespmem:s19+$0xFFFFFFE0] =	vst v9;
	v8 =	vmul.f32 v9, v9  }
0xca: {  	[tilespmem:s10+$0xFFFFFFE0] =	vst v6  }
0xcb: {  	[tilespmem:s10+$0x50] =	vst v3  }
0xcc: {  	v4 =	vmul.f32 v4, v4;
	v3 =	vmul.f32 v5, v5;
	[tilespmem:s28+$0xFFFFFFE0] =	vst v8  }
0xcd: {  	[tilespmem:s8+$0xFFFFFFB0] =	vst v5;
	v5 =	vmul.f32 v2, v2;
	v6 =	vld [tilespmem:s9+$0xFFFFFFB0]  }
0xce: {  	v8 =	vld [tilespmem:s9+$0xFFFFFFF0];
	[tilespmem:s28+$0x50] =	vst v4  }
0xcf: {  	[tilespmem:s28+$0x10] =	vst v7;
	v4 =	vld [tilespmem:s9+$0xA0]  }
0xd0: {  	[tilespmem:s19+$0xFFFFFFB0] =	vst v2;
	v2 =	vld [tilespmem:s9+$0x60]  }
0xd1: {  	[tilespmem:s10+$0xFFFFFFB0] =	vst v3;
	v3 =	vld [tilespmem:s9+$0x20]  }
0xd2: {  	[tilespmem:s8+$0xFFFFFFF0] =	vst v6;
	v7 =	vld [tilespmem:s9+$0xE0]  }
0xd3: {  	v6 =	vmul.f32 v6, v6;
	[tilespmem:s19+$0xFFFFFFF0] =	vst v8  }
0xd4: {  	[tilespmem:s8+$0x60] =	vst v4;
	v4 =	vmul.f32 v4, v4  }
0xd5: {  	[tilespmem:s10+$0xFFFFFFF0] =	vst v6  }
0xd6: {  	v6 =	vmul.f32 v2, v2;
	[tilespmem:s8+$0x20] =	vst v3;
	v3 =	vmul.f32 v3, v3  }
0xd7: {  	[tilespmem:s19+$0x60] =	vst v7;
	v7 =	vmul.f32 v7, v7  }
0xd8: {  	[tilespmem:s10+$0x60] =	vst v4  }
0xd9: {  	[tilespmem:s28+$0x60] =	vst v7  }
0xda: {  	[tilespmem:s19+$0x20] =	vst v2;
	v7 =	vld [tilespmem:s9+$0xB0]  }
0xdb: {  	v4 =	vmul.f32 v8, v8;
	[tilespmem:s10+$0x20] =	vst v3;
	v2 =	vld [tilespmem:s9+$0xF0]  }
.Ltmp1:
0xdc: {  	[tilespmem:s28+$0x20] =	vst v6;
	(pc) =	sbr.rel @p1 .LBB2_4-.Ltmp1, $4  }
0xdd: {  	[tilespmem:s28+$0xFFFFFFF0] =	vst v4;
	v3 =	vld [tilespmem:s9+$0x30]  }
0xde: {  	[tilespmem:s28+$0xFFFFFFB0] =	vst v5;
	v4 =	vld [tilespmem:s9+$0x70]  }
0xdf: {  	[tilespmem:s8+$0x70] =	vst v7;
	v5 =	vmul.f32 v7, v7  }
0xe0: {  	s19 =	sadd.s32 $0x100, s19;
	s9 =	sadd.s32 $0x200, s9;
	s8 =	sadd.s32 $0x100, s8;
	[tilespmem:s26+$0x70] =	vst v2  }
0xe1: {  	[tilespmem:s17+$0x70] =	vst v5  }
0xe2: {  	v2 =	vmul.f32 v2, v2;
	[tilespmem:s16+$0x30] =	vst v3  }
0xe3: {  	v3 =	vmul.f32 v3, v3;
	[tilespmem:s26+$0x30] =	vst v4  }
0xe4: {  	v4 =	vmul.f32 v4, v4;
	[tilespmem:s6+$0x70] =	vst v2  }
0xe5: {  	[tilespmem:s17+$0x30] =	vst v3  }
0xe6: {  	s5 =	simm.s32 $0x8200;
	[tilespmem:s6+$0x30] =	vst v4  }
0xe7: {  	[spmem:s0] =	stream.indirect.scatter.add.f32 [tilespmem:s5], [sflag:$0x5], $0x40, s4, s25, $0xb8;
	[tilespmem:$0x19100] =	vst v63  }
0xe8: {  	s6 =	simm.s32 $0x10200  }
0xe9: {  	[spmem:s1] =	stream.indirect.scatter.add.f32 [tilespmem:s6], [sflag:$0x5], $0x40, s4, s25, $0xb8;
	[tilespmem:$0x19100] =	vst v63  }
0xea: {  	_ = 	snop  }
0xeb: {  	[spmem:s3] =	stream.indirect.scatter.add.f32 [tilespmem:s29], [sflag:$0x5], $0x10, s4, s25, $0xb8;
	[tilespmem:$0x19100] =	vst v63  }
0xec: {  	s8 =	simm.s32 $0xC200  }
0xed: {  	[spmem:s0] =	stream.indirect.scatter.add.f32 [tilespmem:s8], [sflag:$0x5], $0x40, s18, s25, $0xb8;
	[tilespmem:$0x19100] =	vst v63  }
0xee: {  	s9 =	simm.s32 $0x14200  }
0xef: {  	[spmem:s1] =	stream.indirect.scatter.add.f32 [tilespmem:s9], [sflag:$0x5], $0x40, s18, s25, $0xb8;
	[tilespmem:$0x19100] =	vst v63  }
0xf0: {  	_ = 	snop  }
0xf1: {  	[spmem:s3] =	stream.indirect.scatter.add.f32 [tilespmem:s29], [sflag:$0x5], $0x10, s18, s25, $0xb8;
	[tilespmem:$0x19100] =	vst v63  }
0xf2: {  	_ =	swait.ge [sflag:s2], $0x4000  }
0xf3: {  	[sflag:s2] =	ssyncset.done $0x0  }
0xf4: {  	s10 =	simm.s32 $0x4200;
	[sflag:s2] =	ssyncadd.s32 $0xFFFFC000  }
0xf5: {  	v2 =	vld [tilespmem:s10+$0x0]  }
0xf6: {  	v3 =	vld [tilespmem:s10+$0x40]  }
0xf7: {  	v4 =	vld [tilespmem:s10+$0x180]  }
0xf8: {  	v5 =	vld [tilespmem:s10+$0x100]  }
0xf9: {  	v6 =	vld [tilespmem:s10+$0x80]  }
0xfa: {  	s16 =	simm.s32 $0xA2F0;
	v7 =	vld [tilespmem:s10+$0x1C0]  }
0xfb: {  	v9 =	vld [tilespmem:s10+$0xC0];
	[tilespmem:s16+$0xFFFFFF10] =	vst v2  }
0xfc: {  	v8 =	vld [tilespmem:s10+$0x140];
	[tilespmem:s16+$0xFFFFFFD0] =	vst v4  }
0xfd: {  	[tilespmem:s16+$0xFFFFFF90] =	vst v5  }
0xfe: {  	s26 =	simm.s32 $0xE2F0;
	[tilespmem:s16+$0xFFFFFF50] =	vst v6  }
0xff: {  	[tilespmem:s26+$0xFFFFFF10] =	vst v3  }
0x100: {  	[tilespmem:s26+$0xFFFFFF50] =	vst v9  }
0x101: {  	v2 =	vmul.f32 v2, v2;
	[tilespmem:s26+$0xFFFFFF90] =	vst v8  }
0x102: {  	s17 =	simm.s32 $0x122F0;
	v3 =	vmul.f32 v3, v3;
	[tilespmem:s26+$0xFFFFFFD0] =	vst v7  }
0x103: {  	s28 =	simm.s32 $0x162F0;
	[tilespmem:s17+$0xFFFFFF10] =	vst v2;
	v2 =	vmul.f32 v6, v6  }
0x104: {  	v6 =	vmul.f32 v9, v9;
	[tilespmem:s28+$0xFFFFFF10] =	vst v3  }
0x105: {  	[tilespmem:s17+$0xFFFFFF50] =	vst v2;
	v2 =	vmul.f32 v5, v5  }
0x106: {  	v3 =	vld [tilespmem:s10+$0x10];
	v5 =	vmul.f32 v8, v8;
	[tilespmem:s28+$0xFFFFFF50] =	vst v6  }
0x107: {  	v4 =	vmul.f32 v4, v4;
	[tilespmem:s17+$0xFFFFFF90] =	vst v2;
	v2 =	vld [tilespmem:s10+$0x50]  }
0x108: {  	v7 =	vmul.f32 v7, v7;
	[tilespmem:s28+$0xFFFFFF90] =	vst v5;
	v5 =	vld [tilespmem:s10+$0x90]  }
0x109: {  	[tilespmem:s17+$0xFFFFFFD0] =	vst v4  }
0x10a: {  	[tilespmem:s28+$0xFFFFFFD0] =	vst v7;
	v6 =	vld [tilespmem:s10+$0xD0]  }
0x10b: {  	[tilespmem:s16+$0xFFFFFF20] =	vst v3  }
0x10c: {  	v4 =	vld [tilespmem:s10+$0x110];
	v3 =	vmul.f32 v3, v3;
	[tilespmem:s26+$0xFFFFFF20] =	vst v2  }
0x10d: {  	v7 =	vld [tilespmem:s10+$0x150];
	[tilespmem:s16+$0xFFFFFF60] =	vst v5  }
0x10e: {  	v2 =	vmul.f32 v2, v2;
	[tilespmem:s17+$0xFFFFFF20] =	vst v3  }
0x10f: {  	[tilespmem:s26+$0xFFFFFF60] =	vst v6  }
0x110: {  	[tilespmem:s28+$0xFFFFFF20] =	vst v2  }
0x111: {  	v5 =	vmul.f32 v5, v5;
	v2 =	vld [tilespmem:s10+$0x190];
	[tilespmem:s16+$0xFFFFFFA0] =	vst v4  }
0x112: {  	v3 =	vld [tilespmem:s10+$0x1D0];
	v6 =	vmul.f32 v6, v6;
	[tilespmem:s26+$0xFFFFFFA0] =	vst v7  }
0x113: {  	v4 =	vmul.f32 v4, v4;
	v59 =	vld [tilespmem:s10+$0x20];
	[tilespmem:s17+$0xFFFFFF60] =	vst v5  }
0x114: {  	v60 =	vld [tilespmem:s10+$0x60];
	[tilespmem:s28+$0xFFFFFF60] =	vst v6  }
0x115: {  	[tilespmem:s17+$0xFFFFFFA0] =	vst v4  }
0x116: {  	[tilespmem:s16+$0xFFFFFFE0] =	vst v2  }
0x117: {  	v6 =	vld [tilespmem:s10+$0xA0];
	[tilespmem:s26+$0xFFFFFFE0] =	vst v3  }
0x118: {  	v2 =	vmul.f32 v2, v2;
	[tilespmem:s16+$0xFFFFFF30] =	vst v59  }
0x119: {  	v62 =	vld [tilespmem:s10+$0xE0];
	v5 =	vmul.f32 v59, v59;
	[tilespmem:s26+$0xFFFFFF30] =	vst v60  }
0x11a: {  	[tilespmem:s17+$0xFFFFFFE0] =	vst v2  }
0x11b: {  	v61 =	vmul.f32 v60, v60;
	[tilespmem:s17+$0xFFFFFF30] =	vst v5  }
0x11c: {  	[tilespmem:s16+$0xFFFFFF70] =	vst v6  }
0x11d: {  	v2 =	vmul.f32 v3, v3;
	[tilespmem:s28+$0xFFFFFF30] =	vst v61  }
0x11e: {  	v3 =	vmul.f32 v7, v7;
	[tilespmem:s26+$0xFFFFFF70] =	vst v62  }
0x11f: {  	v5 =	vmul.f32 v6, v6;
	[tilespmem:s28+$0xFFFFFFE0] =	vst v2;
	v4 =	vld [tilespmem:s10+$0x30]  }
0x120: {  	v6 =	vmul.f32 v62, v62;
	[tilespmem:s28+$0xFFFFFFA0] =	vst v3;
	v3 =	vld [tilespmem:s10+$0x1A0]  }
0x121: {  	[tilespmem:s17+$0xFFFFFF70] =	vst v5;
	v5 =	vld [tilespmem:s10+$0x70]  }
0x122: {  	[tilespmem:s28+$0xFFFFFF70] =	vst v6  }
0x123: {  	v6 =	vld [tilespmem:s10+$0xB0]  }
0x124: {  	v7 =	vld [tilespmem:s10+$0xF0];
	[tilespmem:s16+$0xFFFFFF40] =	vst v4  }
0x125: {  	v2 =	vmul.f32 v4, v4;
	v4 =	vld [tilespmem:s10+$0x1E0];
	[tilespmem:s16+$0xFFFFFFF0] =	vst v3  }
0x126: {  	[tilespmem:s26+$0xFFFFFF40] =	vst v5  }
0x127: {  	[tilespmem:s17+$0xFFFFFF40] =	vst v2  }
0x128: {  	v2 =	vld [tilespmem:s10+$0x120];
	[tilespmem:s16+$0xFFFFFF80] =	vst v6;
	v6 =	vmul.f32 v6, v6  }
0x129: {  	[tilespmem:s26+$0xFFFFFF80] =	vst v7  }
0x12a: {  	v63 =	vld [tilespmem:s10+$0x160];
	v3 =	vmul.f32 v3, v3;
	[tilespmem:s17+$0xFFFFFF80] =	vst v6  }
0x12b: {  	[tilespmem:s26+$0xFFFFFFF0] =	vst v4  }
0x12c: {  	v4 =	vmul.f32 v4, v4;
	[tilespmem:s17+$0xFFFFFFF0] =	vst v3  }
0x12d: {  	[tilespmem:s16+$0xFFFFFFB0] =	vst v2  }
0x12e: {  	v2 =	vmul.f32 v2, v2;
	[tilespmem:s28+$0xFFFFFFF0] =	vst v4  }
0x12f: {  	v3 =	vmul.f32 v63, v63;
	[tilespmem:s26+$0xFFFFFFB0] =	vst v63;
	v6 =	vld [tilespmem:s10+$0x1B0]  }
0x130: {  	v5 =	vmul.f32 v5, v5;
	[tilespmem:s17+$0xFFFFFFB0] =	vst v2;
	v2 =	vld [tilespmem:s10+$0x1F0]  }
0x131: {  	v4 =	vmul.f32 v7, v7;
	[tilespmem:s28+$0xFFFFFFB0] =	vst v3  }
0x132: {  	[tilespmem:s28+$0xFFFFFF40] =	vst v5;
	v3 =	vld [tilespmem:s10+$0x130]  }
0x133: {  	[tilespmem:s28+$0xFFFFFF80] =	vst v4;
	v4 =	vld [tilespmem:s10+$0x170]  }
0x134: {  	s19 =	simm.s32 $0x4400;
	s5 =	simm.s32 $0x0;
	s6 =	simm.s32 $0x162F0;
	[tilespmem:s16+$0x0] =	vst v6;
	v5 =	vmul.f32 v6, v6  }
0x135: {  	s8 =	simm.s32 $0xE3F0;
	s9 =	simm.s32 $0xA3F0;
	s10 =	simm.s32 $0x122F0;
	[tilespmem:s26+$0x0] =	vst v2  }
.LBB2_6:
0x136: {  	v6 =	vld [tilespmem:s19+$0x0];
	s5 =	sadd.s32 $0x4, s5;
	[tilespmem:s17+$0x0] =	vst v5;
	s28 =	sadd.s32 $0x100, s28;
	s10 =	sadd.s32 $0x100, s10  }
0x137: {  	v5 =	vld [tilespmem:s19+$0x40];
	p1 =	slt.u32 s5, $0x7C;
	[tilespmem:s16+$0xFFFFFFC0] =	vst v3;
	v3 =	vmul.f32 v3, v3;
	s16 =	smov.u32 s9  }
0x138: {  	v2 =	vmul.f32 v2, v2;
	v7 =	vld [tilespmem:s19+$0x180];
	[tilespmem:s26+$0xFFFFFFC0] =	vst v4;
	v4 =	vmul.f32 v4, v4;
	s26 =	smov.u32 s8  }
0x139: {  	v8 =	vld [tilespmem:s19+$0x100];
	[tilespmem:s17+$0xFFFFFFC0] =	vst v3;
	s17 =	smov.u32 s10  }
0x13a: {  	v3 =	vld [tilespmem:s19+$0x80];
	[tilespmem:s6+$0xFFFFFFC0] =	vst v4  }
0x13b: {  	v4 =	vld [tilespmem:s19+$0x1C0];
	[tilespmem:s6+$0x0] =	vst v2;
	s6 =	smov.u32 s28  }
0x13c: {  	[tilespmem:s9+$0xFFFFFF10] =	vst v6;
	v2 =	vld [tilespmem:s19+$0x140]  }
0x13d: {  	v9 =	vld [tilespmem:s19+$0xC0];
	[tilespmem:s9+$0xFFFFFFD0] =	vst v7  }
0x13e: {  	[tilespmem:s9+$0xFFFFFF90] =	vst v8  }
0x13f: {  	v6 =	vmul.f32 v6, v6;
	[tilespmem:s9+$0xFFFFFF50] =	vst v3  }
0x140: {  	v7 =	vmul.f32 v7, v7;
	[tilespmem:s8+$0xFFFFFF10] =	vst v5;
	v5 =	vmul.f32 v5, v5  }
0x141: {  	v3 =	vmul.f32 v3, v3;
	[tilespmem:s10+$0xFFFFFF10] =	vst v6  }
0x142: {  	[tilespmem:s8+$0xFFFFFF50] =	vst v9  }
0x143: {  	[tilespmem:s10+$0xFFFFFF50] =	vst v3  }
0x144: {  	v3 =	vmul.f32 v8, v8;
	[tilespmem:s28+$0xFFFFFF10] =	vst v5  }
0x145: {  	v5 =	vld [tilespmem:s19+$0x10];
	[tilespmem:s8+$0xFFFFFF90] =	vst v2;
	v2 =	vmul.f32 v2, v2  }
0x146: {  	v6 =	vmul.f32 v9, v9;
	[tilespmem:s10+$0xFFFFFF90] =	vst v3  }
0x147: {  	v3 =	vld [tilespmem:s19+$0x50];
	[tilespmem:s28+$0xFFFFFF90] =	vst v2  }
0x148: {  	[tilespmem:s28+$0xFFFFFF50] =	vst v6;
	v2 =	vld [tilespmem:s19+$0x110]  }
0x149: {  	v6 =	vld [tilespmem:s19+$0x90];
	[tilespmem:s8+$0xFFFFFFD0] =	vst v4  }
0x14a: {  	v4 =	vmul.f32 v4, v4;
	[tilespmem:s9+$0xFFFFFF20] =	vst v5;
	v8 =	vld [tilespmem:s19+$0xD0]  }
0x14b: {  	[tilespmem:s10+$0xFFFFFFD0] =	vst v7  }
0x14c: {  	[tilespmem:s28+$0xFFFFFFD0] =	vst v4  }
0x14d: {  	[tilespmem:s8+$0xFFFFFF20] =	vst v3;
	v4 =	vld [tilespmem:s19+$0x1D0]  }
0x14e: {  	v5 =	vmul.f32 v5, v5;
	[tilespmem:s9+$0xFFFFFF60] =	vst v6;
	v7 =	vld [tilespmem:s19+$0x150]  }
0x14f: {  	v3 =	vmul.f32 v3, v3;
	[tilespmem:s8+$0xFFFFFF60] =	vst v8  }
0x150: {  	[tilespmem:s10+$0xFFFFFF20] =	vst v5  }
0x151: {  	[tilespmem:s28+$0xFFFFFF20] =	vst v3;
	v3 =	vld [tilespmem:s19+$0x190]  }
0x152: {  	v5 =	vmul.f32 v6, v6;
	[tilespmem:s9+$0xFFFFFFA0] =	vst v2  }
0x153: {  	v8 =	vmul.f32 v8, v8;
	v6 =	vld [tilespmem:s19+$0x20];
	[tilespmem:s8+$0xFFFFFFA0] =	vst v7  }
0x154: {  	v9 =	vld [tilespmem:s19+$0x60];
	[tilespmem:s10+$0xFFFFFF60] =	vst v5  }
0x155: {  	[tilespmem:s28+$0xFFFFFF60] =	vst v8  }
0x156: {  	[tilespmem:s9+$0xFFFFFFE0] =	vst v3  }
0x157: {  	[tilespmem:s8+$0xFFFFFFE0] =	vst v4  }
0x158: {  	[tilespmem:s9+$0xFFFFFF30] =	vst v6;
	v5 =	vmul.f32 v6, v6;
	v6 =	vld [tilespmem:s19+$0xA0]  }
0x159: {  	[tilespmem:s8+$0xFFFFFF30] =	vst v9;
	v8 =	vmul.f32 v9, v9;
	v9 =	vld [tilespmem:s19+$0xE0]  }
0x15a: {  	v2 =	vmul.f32 v2, v2;
	[tilespmem:s10+$0xFFFFFF30] =	vst v5  }
0x15b: {  	[tilespmem:s28+$0xFFFFFF30] =	vst v8  }
0x15c: {  	v5 =	vld [tilespmem:s19+$0x30];
	[tilespmem:s10+$0xFFFFFFA0] =	vst v2  }
0x15d: {  	v3 =	vmul.f32 v3, v3;
	v2 =	vld [tilespmem:s19+$0x70];
	[tilespmem:s9+$0xFFFFFF70] =	vst v6;
	v6 =	vmul.f32 v6, v6  }
0x15e: {  	v7 =	vmul.f32 v7, v7;
	[tilespmem:s8+$0xFFFFFF70] =	vst v9;
	v8 =	vmul.f32 v9, v9  }
0x15f: {  	[tilespmem:s10+$0xFFFFFF70] =	vst v6  }
0x160: {  	[tilespmem:s10+$0xFFFFFFE0] =	vst v3  }
0x161: {  	v4 =	vmul.f32 v4, v4;
	v3 =	vmul.f32 v5, v5;
	[tilespmem:s28+$0xFFFFFF70] =	vst v8  }
0x162: {  	[tilespmem:s9+$0xFFFFFF40] =	vst v5;
	v5 =	vmul.f32 v2, v2;
	v6 =	vld [tilespmem:s19+$0xB0]  }
0x163: {  	v8 =	vld [tilespmem:s19+$0xF0];
	[tilespmem:s28+$0xFFFFFFE0] =	vst v4  }
0x164: {  	[tilespmem:s28+$0xFFFFFFA0] =	vst v7;
	v4 =	vld [tilespmem:s19+$0x1A0]  }
0x165: {  	[tilespmem:s8+$0xFFFFFF40] =	vst v2;
	v2 =	vld [tilespmem:s19+$0x160]  }
0x166: {  	[tilespmem:s10+$0xFFFFFF40] =	vst v3;
	v3 =	vld [tilespmem:s19+$0x120]  }
0x167: {  	[tilespmem:s9+$0xFFFFFF80] =	vst v6;
	v7 =	vld [tilespmem:s19+$0x1E0]  }
0x168: {  	v6 =	vmul.f32 v6, v6;
	[tilespmem:s8+$0xFFFFFF80] =	vst v8  }
0x169: {  	[tilespmem:s9+$0xFFFFFFF0] =	vst v4;
	v4 =	vmul.f32 v4, v4  }
0x16a: {  	[tilespmem:s10+$0xFFFFFF80] =	vst v6  }
0x16b: {  	v6 =	vmul.f32 v2, v2;
	[tilespmem:s9+$0xFFFFFFB0] =	vst v3;
	v3 =	vmul.f32 v3, v3  }
0x16c: {  	[tilespmem:s8+$0xFFFFFFF0] =	vst v7;
	v7 =	vmul.f32 v7, v7  }
0x16d: {  	[tilespmem:s10+$0xFFFFFFF0] =	vst v4  }
0x16e: {  	[tilespmem:s28+$0xFFFFFFF0] =	vst v7  }
0x16f: {  	[tilespmem:s8+$0xFFFFFFB0] =	vst v2;
	v7 =	vld [tilespmem:s19+$0x1B0]  }
0x170: {  	v4 =	vmul.f32 v8, v8;
	[tilespmem:s10+$0xFFFFFFB0] =	vst v3;
	v2 =	vld [tilespmem:s19+$0x1F0]  }
.Ltmp2:
0x171: {  	[tilespmem:s28+$0xFFFFFFB0] =	vst v6;
	(pc) =	sbr.rel @p1 .LBB2_6-.Ltmp2, $4  }
0x172: {  	[tilespmem:s28+$0xFFFFFF80] =	vst v4;
	v3 =	vld [tilespmem:s19+$0x130]  }
0x173: {  	[tilespmem:s28+$0xFFFFFF40] =	vst v5;
	v4 =	vld [tilespmem:s19+$0x170]  }
0x174: {  	[tilespmem:s9+$0x0] =	vst v7;
	v5 =	vmul.f32 v7, v7  }
0x175: {  	s8 =	sadd.s32 $0x100, s8;
	s19 =	sadd.s32 $0x200, s19;
	s9 =	sadd.s32 $0x100, s9;
	[tilespmem:s26+$0x0] =	vst v2  }
0x176: {  	[tilespmem:s17+$0x0] =	vst v5  }
0x177: {  	v2 =	vmul.f32 v2, v2;
	[tilespmem:s16+$0xFFFFFFC0] =	vst v3  }
0x178: {  	v3 =	vmul.f32 v3, v3;
	[tilespmem:s26+$0xFFFFFFC0] =	vst v4  }
0x179: {  	v63 =	vmul.f32 v4, v4;
	[tilespmem:s6+$0x0] =	vst v2  }
0x17a: {  	[tilespmem:s17+$0xFFFFFFC0] =	vst v3  }
0x17b: {  	s5 =	simm.s32 $0xA200;
	[tilespmem:s6+$0xFFFFFFC0] =	vst v63  }
0x17c: {  	[spmem:s0] =	stream.indirect.scatter.add.f32 [tilespmem:s5], [sflag:$0x5], $0x40, s25, s25, $0xb8;
	[tilespmem:$0x19100] =	vst v63  }
0x17d: {  	s19 =	simm.s32 $0x12200  }
0x17e: {  	[spmem:s1] =	stream.indirect.scatter.add.f32 [tilespmem:s19], [sflag:$0x5], $0x40, s25, s25, $0xb8;
	[tilespmem:$0x19100] =	vst v63  }
0x17f: {  	_ = 	snop  }
0x180: {  	[spmem:s3] =	stream.indirect.scatter.add.f32 [tilespmem:s29], [sflag:$0x5], $0x10, s25, s25, $0xb8;
	[tilespmem:$0x19100] =	vst v63  }
0x181: {  	s26 =	simm.s32 $0xE200  }
0x182: {  	[spmem:s0] =	stream.indirect.scatter.add.f32 [tilespmem:s26], [sflag:$0x5], $0x40, s21, s25, $0xb8;
	[tilespmem:$0x19100] =	vst v63  }
0x183: {  	s28 =	simm.s32 $0x16200  }
0x184: {  	[spmem:s1] =	stream.indirect.scatter.add.f32 [tilespmem:s28], [sflag:$0x5], $0x40, s21, s25, $0xb8;
	[tilespmem:$0x19100] =	vst v63  }
0x185: {  	_ = 	snop  }
0x186: {  	[spmem:s3] =	stream.indirect.scatter.add.f32 [tilespmem:s29], [sflag:$0x5], $0x10, s21, s25, $0xb8;
	[tilespmem:$0x19100] =	vst v63  }
0x187: {  	_ =	swait.ge [sflag:s30], $0x2000  }
0x188: {  	[sflag:s30] =	ssyncset.done $0x0  }
0x189: {  	[sflag:s30] =	ssyncadd.s32 $0xFFFFE000  }
0x18a: {  	_ =	swait.ge [sflag:s30], $0x2000  }
0x18b: {  	[sflag:s30] =	ssyncset.done $0x0  }
0x18c: {  	[sflag:s30] =	ssyncadd.s32 $0xFFFFE000  }
0x18d: {  	_ =	swait.ge [sflag:s30], $0x800  }
0x18e: {  	[sflag:s30] =	ssyncset.done $0x0  }
0x18f: {  	[sflag:s30] =	ssyncadd.s32 $0xFFFFF800  }
0x190: {  	_ =	swait.ge [sflag:s30], $0x2000  }
0x191: {  	[sflag:s30] =	ssyncset.done $0x0  }
0x192: {  	[sflag:s30] =	ssyncadd.s32 $0xFFFFE000  }
0x193: {  	_ =	swait.ge [sflag:s30], $0x2000  }
0x194: {  	[sflag:s30] =	ssyncset.done $0x0  }
0x195: {  	[sflag:s30] =	ssyncadd.s32 $0xFFFFE000  }
0x196: {  	_ =	swait.ge [sflag:s30], $0x800  }
0x197: {  	[sflag:s30] =	ssyncset.done $0x0  }
0x198: {  	[sflag:s30] =	ssyncadd.s32 $0xFFFFF800  }
0x199: {  	_ =	swait.ge [sflag:s30], $0x2000  }
0x19a: {  	[sflag:s30] =	ssyncset.done $0x0  }
0x19b: {  	[sflag:s30] =	ssyncadd.s32 $0xFFFFE000  }
0x19c: {  	_ =	swait.ge [sflag:s30], $0x2000  }
0x19d: {  	[sflag:s30] =	ssyncset.done $0x0  }
0x19e: {  	[sflag:s30] =	ssyncadd.s32 $0xFFFFE000  }
0x19f: {  	_ =	swait.ge [sflag:s30], $0x800  }
0x1a0: {  	[sflag:s30] =	ssyncset.done $0x0  }
0x1a1: {  	[sflag:s30] =	ssyncadd.s32 $0xFFFFF800  }
0x1a2: {  	_ =	swait.ge [sflag:s30], $0x2000  }
0x1a3: {  	[sflag:s30] =	ssyncset.done $0x0  }
0x1a4: {  	[sflag:s30] =	ssyncadd.s32 $0xFFFFE000  }
0x1a5: {  	_ =	swait.ge [sflag:s30], $0x2000  }
0x1a6: {  	[sflag:s30] =	ssyncset.done $0x0  }
0x1a7: {  	[sflag:s30] =	ssyncadd.s32 $0xFFFFE000  }
0x1a8: {  	_ =	swait.ge [sflag:s30], $0x800  }
0x1a9: {  	s8 =	simm.s32 @!p0 $0x10;
	[sflag:s30] =	ssyncset.done $0x0  }
0x1aa: {  	s9 =	simm.s32 @!p0 $0x8;
	s10 =	simm.s32 @!p0 $0x1C06;
	[sflag:s30] =	ssyncadd.s32 $0xFFFFF800  }
0x1ab: {  	s6 =	simm.s32 @!p0 $0x1;
	s5 =	sshrl.u32 @!p0 s0, $0x3;
	[bflag:$0x0] =	sbarrier.arrive $0xFFFF  }
0x1ac: {  	[hbm:s12@s8], [sflag:s10] =	dma.strided @!p0 [spmem:s5@s9], $0x400, s6, $0x8   }
0x1ad: {  	s5 =	simm.s32 @!p0 $0x6  }
0x1ae: {  	_ =	swait.ge @!p0 [sflag:s5], $0x400  }
0x1af: {  	[sflag:s5] =	ssyncset.done @!p0 $0x0  }
0x1b0: {  	s16 =	sshrl.u32 @!p0 s1, $0x3;
	[sflag:s5] =	ssyncadd.s32 @!p0 $0xFFFFFC00  }
0x1b1: {  	[hbm:s13@s8], [sflag:s10] =	dma.strided @!p0 [spmem:s16@s9], $0x400, s6, $0x8   }
0x1b2: {  	s31 =	sadd.s32 $0x1, s31;
	_ =	swait.ge @!p0 [sflag:s5], $0x400  }
0x1b3: {  	p1 =	sne.s32 s31, s15;
	[sflag:s5] =	ssyncset.done @!p0 $0x0  }
.Ltmp3:
0x1b4: {  	s6 =	sshrl.u32 @!p0 s3, $0x3;
	[sflag:s5] =	ssyncadd.s32 @!p0 $0xFFFFFC00;
	(pc) =	sbr.rel @p1 .LBB2_1-.Ltmp3, $4  }
0x1b5: {  	[hbm:s14], [sflag:s10] =	dma.local @!p0 [spmem:s6], $0x100  }
0x1b6: {  	_ =	swait.ge @!p0 [sflag:s5], $0x100  }
0x1b7: {  	[sflag:s5] =	ssyncset.done @!p0 $0x0  }
0x1b8: {  	[sflag:s5] =	ssyncadd.s32 @!p0 $0xFFFFFF00  }
0x1b9: {  	_ =	sfence.sel $0x180000  }
0x1ba: {  	[bflag:$0x0] =	sbarrier.arrive $0xFFFF  }
0x1bb: {  	_ =	strace $0x90000047  }
0x1bc: {  	[bflag:$0x2] =	sbarrier.arrive $0xFFFF  }
0x1bd: {  	s0 =	rddreg [dreg:$0x5]  }
0x1be: {  	s0 =	sadd.s32 @!p0 $0x100000, s0  }
0x1bf: {  	[sflag:s0] =	ssyncadd.tile.s32 @!p0 $0x1;
	_ =	shalt  }
.Lfunc_end2:
_tile_overlayer_lowered:
.L_overlay_start_2:
0x1c0: {  	(tag) =	ssettag $0x2  }
0x1c1: {  	s0 =	rddreg [dreg:$0x0];
	s2 =	stileid.u32  }
0x1c2: {  	s1 =	rddreg [dreg:$0x1];
	p0 =	sne.s32 s2, $0x0  }
0x1c3: {  	s3 =	rddreg [dreg:$0x2];
	[bflag:$0x3] =	sbarrier.arrive $0xFFFF;
	s2 =	simm.s32 @!p0 $0x1C06  }
0x1c4: {  	[timem:s3], [sflag:s2] =	dma.local @!p0 [hbm:s0], s1  }
0x1c5: {  	s0 =	simm.s32 @!p0 $0x6  }
0x1c6: {  	_ =	swait.ge @!p0 [sflag:s0], s1  }
0x1c7: {  	s1 =	ssub.s32 @!p0 $0x0, s1;
	[sflag:s0] =	ssyncset.done @!p0 $0x0  }
0x1c8: {  	[sflag:s0] =	ssyncadd.s32 @!p0 s1  }
0x1c9: {  	[bflag:$0x3] =	sbarrier.arrive $0xFFFF  }
0x1ca: {  	_ =	shalt  }

</sc_bundles>
